<compile_context>
chip_gen: v7x
topology: tpu7x:2x2x1
jax: 0.10.2.dev20260603
libtpu: 0.0.44.dev20260713+nightly
codegen_flags: <defaults>
</compile_context>

<pallas_src>
import functools

import jax
import jax.numpy as jnp
from jax import lax
from jax.experimental import pallas as pl
from jax.experimental.pallas import tpu as pltpu
from jax.experimental.pallas import tpu_sc as plsc

_N = 10000
_E = 320000
_F = 128
_HID = 128
_CLS = 32

_NC = 2
_NS = 16
_NW = _NC * _NS
_CHUNK = 128
_NCHUNK = 80
_EPW = _NCHUNK * _CHUNK
_EPAD = _EPW * _NW
_NBUF = 2
_HALF = _NCHUNK // 2
_NPAD = 10112
_RPT = _NPAD // _NS

_DW = 8
_BLK = 1000
_GRID = _N // _BLK


def _deg_body(dstw, zd, oh, out_d, dst_v, oh_v, acc_d):
    cid = lax.axis_index("c")
    sid = lax.axis_index("s")
    wid = cid * _NS + sid
    r0 = sid * _RPT
    pltpu.sync_copy(zd, acc_d.at[pl.ds(r0, _RPT)])
    pltpu.sync_copy(dstw.at[pl.ds(wid * _NCHUNK, _NCHUNK)], dst_v)
    pltpu.sync_copy(oh, oh_v)
    plsc.subcore_barrier()

    def body(j, carry):
        pltpu.sync_copy(oh_v, acc_d.at[dst_v.at[j]], add=True)
        return carry

    lax.fori_loop(0, _NCHUNK, body, 0)
    plsc.subcore_barrier()
    pltpu.sync_copy(acc_d.at[pl.ds(r0, _RPT)], out_d.at[cid, pl.ds(r0, _RPT)])


def _agg_body(feat, srcw, dstw, zf, out_f,
              src_v, dst_v, buf0, buf1, sg0, sg1, acc_f):
    cid = lax.axis_index("c")
    sid = lax.axis_index("s")
    wid = cid * _NS + sid
    r0 = sid * _RPT
    pltpu.sync_copy(zf, acc_f.at[pl.ds(r0, _RPT)])
    plsc.subcore_barrier()

    bufs = (buf0, buf1)
    sgs = (sg0, sg1)
    for h in range(_NCHUNK // _HALF):
        pltpu.sync_copy(
            srcw.at[pl.ds(wid * _NCHUNK + h * _HALF, _HALF)], src_v)
        pltpu.sync_copy(
            dstw.at[pl.ds(wid * _NCHUNK + h * _HALF, _HALF)], dst_v)
        for b in range(_NBUF):
            pltpu.async_copy(feat.at[src_v.at[b]], bufs[b], sgs[b])

        def body(t, carry):
            for b in range(_NBUF):
                j = t * _NBUF + b
                pltpu.make_async_copy(
                    feat.at[src_v.at[j]], bufs[b], sgs[b]).wait()
                pltpu.sync_copy(bufs[b], acc_f.at[dst_v.at[j]], add=True)
                j2 = j + _NBUF

                @pl.when(j2 < _HALF)
                def _():
                    pltpu.async_copy(feat.at[src_v.at[j2]], bufs[b], sgs[b])
            return carry

        lax.fori_loop(0, _HALF // _NBUF, body, 0)
    plsc.subcore_barrier()
    pltpu.sync_copy(acc_f.at[pl.ds(r0, _RPT)], out_f.at[cid, pl.ds(r0, _RPT)])


def _make_deg():
    return functools.partial(
        pl.kernel,
        out_type=jax.ShapeDtypeStruct((_NC, _NPAD, _DW), jnp.float32),
        mesh=plsc.VectorSubcoreMesh(core_axis_name="c", subcore_axis_name="s"),
        compiler_params=pltpu.CompilerParams(use_tc_tiling_on_sc=False),
        scratch_types=[
            pltpu.VMEM((_NCHUNK, _CHUNK), jnp.int32),
            pltpu.VMEM((_CHUNK, _DW), jnp.float32),
            pltpu.VMEM_SHARED((_NPAD, _DW), jnp.float32),
        ],
    )(_deg_body)


def _make_agg(width, tc_tiling):
    extra = {}
    if not tc_tiling:
        extra["compiler_params"] = pltpu.CompilerParams(
            use_tc_tiling_on_sc=False)
    return functools.partial(
        pl.kernel,
        out_type=jax.ShapeDtypeStruct((_NC, _NPAD, width), jnp.float32),
        mesh=plsc.VectorSubcoreMesh(core_axis_name="c", subcore_axis_name="s"),
        scratch_types=[
            pltpu.VMEM((_HALF, _CHUNK), jnp.int32),
            pltpu.VMEM((_HALF, _CHUNK), jnp.int32),
            pltpu.VMEM((_CHUNK, width), jnp.float32),
            pltpu.VMEM((_CHUNK, width), jnp.float32),
            pltpu.SemaphoreType.DMA,
            pltpu.SemaphoreType.DMA,
            pltpu.VMEM_SHARED((_NPAD, width), jnp.float32),
        ],
        **extra,
    )(_agg_body)


def _sc_degree(dstw):
    zd = jnp.zeros((_RPT, _DW), jnp.float32)
    oh = jnp.zeros((_CHUNK, _DW), jnp.float32).at[:, 0].set(1.0)
    return _make_deg()(dstw, zd, oh)


def _sc_aggregate1(p1, srcw, dstw):
    zf = jnp.zeros((_RPT, _F), jnp.float32)
    return _make_agg(_F, True)(p1, srcw, dstw, zf)


def _sc_aggregate2(p2, srcw, dstw):
    z2 = jnp.zeros((_RPT, _CLS), jnp.float32)
    return _make_agg(_CLS, False)(p2, srcw, dstw, z2)


def _prep_body(x_ref, w1l_ref, w1r_ref, b1_ref, p1_ref, r1_ref):
    xb = x_ref[...]
    p1_ref[...] = jnp.dot(xb, w1l_ref[...], preferred_element_type=jnp.float32)
    r1_ref[...] = (jnp.dot(xb, w1r_ref[...], preferred_element_type=jnp.float32)
                   + b1_ref[...])


def _mid_body(pf_ref, pd_ref, r1_ref, w2l_ref, w2r_ref, b2_ref,
              p2_ref, r2_ref, inv_ref):
    agg = pf_ref[0] + pf_ref[1]
    degc = pd_ref[0] + pd_ref[1]
    invd = 1.0 / jnp.maximum(degc[:, 0:1], 1.0)
    h = jnp.maximum(agg * invd + r1_ref[...], 0.0)
    p2_ref[...] = jnp.dot(h, w2l_ref[...], preferred_element_type=jnp.float32)
    r2_ref[...] = (jnp.dot(h, w2r_ref[...], preferred_element_type=jnp.float32)
                   + b2_ref[...])
    inv_ref[...] = jnp.broadcast_to(invd, (invd.shape[0], _CLS))


def _final_body(pf_ref, r2_ref, inv_ref, o_ref):
    y = (pf_ref[0] + pf_ref[1]) * inv_ref[...] + r2_ref[...]
    m = jnp.max(y, axis=1, keepdims=True)
    lse = jnp.log(jnp.sum(jnp.exp(y - m), axis=1, keepdims=True)) + m
    o_ref[...] = y - lse


def _tc_prep(x, w1lT, w1rT, b1):
    return pl.pallas_call(
        _prep_body,
        grid=(_GRID,),
        in_specs=[
            pl.BlockSpec((_BLK, _F), lambda i: (i, 0)),
            pl.BlockSpec((_F, _HID), lambda i: (0, 0)),
            pl.BlockSpec((_F, _HID), lambda i: (0, 0)),
            pl.BlockSpec((1, _HID), lambda i: (0, 0)),
        ],
        out_specs=[pl.BlockSpec((_BLK, _HID), lambda i: (i, 0))] * 2,
        out_shape=[jax.ShapeDtypeStruct((_N, _HID), jnp.float32)] * 2,
    )(x, w1lT, w1rT, b1)


def _tc_mid(pf, pd, r1, w2lT, w2rT, b2):
    return pl.pallas_call(
        _mid_body,
        grid=(_GRID,),
        in_specs=[
            pl.BlockSpec((_NC, _BLK, _F), lambda i: (0, i, 0)),
            pl.BlockSpec((_NC, _BLK, _DW), lambda i: (0, i, 0)),
            pl.BlockSpec((_BLK, _HID), lambda i: (i, 0)),
            pl.BlockSpec((_HID, _CLS), lambda i: (0, 0)),
            pl.BlockSpec((_HID, _CLS), lambda i: (0, 0)),
            pl.BlockSpec((1, _CLS), lambda i: (0, 0)),
        ],
        out_specs=[pl.BlockSpec((_BLK, _CLS), lambda i: (i, 0))] * 3,
        out_shape=[jax.ShapeDtypeStruct((_N, _CLS), jnp.float32)] * 3,
    )(pf, pd, r1, w2lT, w2rT, b2)


def _tc_final(pf2, r2, inv):
    return pl.pallas_call(
        _final_body,
        grid=(_GRID,),
        in_specs=[
            pl.BlockSpec((_NC, _BLK, _CLS), lambda i: (0, i, 0)),
            pl.BlockSpec((_BLK, _CLS), lambda i: (i, 0)),
            pl.BlockSpec((_BLK, _CLS), lambda i: (i, 0)),
        ],
        out_specs=pl.BlockSpec((_BLK, _CLS), lambda i: (i, 0)),
        out_shape=jax.ShapeDtypeStruct((_N, _CLS), jnp.float32),
    )(pf2, r2, inv)


def kernel(x, edge_index, W1l, W1r, b1, W2l, W2r, b2):
    src = edge_index[0]
    dst = edge_index[1]
    pad = _EPAD - _E
    srcw = jnp.concatenate(
        [src, jnp.zeros((pad,), jnp.int32)]).reshape(_NW * _NCHUNK, _CHUNK)
    dstw = jnp.concatenate(
        [dst, jnp.full((pad,), _N, jnp.int32)]).reshape(_NW * _NCHUNK, _CHUNK)

    pd = _sc_degree(dstw)
    p1, r1 = _tc_prep(x, W1l.T, W1r.T, b1.reshape(1, _HID))
    pf = _sc_aggregate1(p1, srcw, dstw)
    p2, r2, inv = _tc_mid(pf, pd, r1, W2l.T, W2r.T, b2.reshape(1, _CLS))
    pf2 = _sc_aggregate2(p2, srcw, dstw)
    return _tc_final(pf2, r2, inv)

# --- scband reference (transcript-rebuilt; emitter-appended) ---
"""Pipeline reference for scband-mutation-graph-sage-12232066859618 (READ-ONLY COPY).

The authoritative reference and input builder live on the scoring server;
editing this copy changes nothing except your own understanding.
"""

import jax, jax.numpy as jnp
import numpy as np

N = 10000
E = 320000
F_IN = 128
HID = 128
CLS = 32


def _glorot_linear(key, out_f, in_f):
    s = 1.0 / np.sqrt(in_f)
    return jax.random.uniform(key, (out_f, in_f), minval=-s, maxval=s, dtype=jnp.float32)


def setup_inputs(seed: int = 0) -> dict:
    key = jax.random.key(seed)
    ks = jax.random.split(key, 9)
    x = jax.random.normal(ks[0], (N, F_IN), dtype=jnp.float32)
    edge_index = jax.random.randint(ks[1], (2, E), 0, N, dtype=jnp.int32)
    # SAGEConv 1: lin_l (applied to aggregated neighbors, has bias), lin_r (root weight, no bias)
    W1l = _glorot_linear(ks[2], HID, F_IN)
    W1r = _glorot_linear(ks[3], HID, F_IN)
    b1 = jnp.zeros((HID,), dtype=jnp.float32)
    # SAGEConv 2
    W2l = _glorot_linear(ks[4], CLS, HID)
    W2r = _glorot_linear(ks[5], CLS, HID)
    b2 = jnp.zeros((CLS,), dtype=jnp.float32)
    return {"x": x, "edge_index": edge_index, "W1l": W1l, "W1r": W1r, "b1": b1,
            "W2l": W2l, "W2r": W2r, "b2": b2}


def _sage_conv(x, edge_index, Wl, Wr, b):
    src = edge_index[0]
    dst = edge_index[1]
    msgs = jnp.take(x, src, axis=0)                      # gather source node features
    agg = jax.ops.segment_sum(msgs, dst, num_segments=N)  # scatter-add to destinations
    deg = jax.ops.segment_sum(jnp.ones((E,), dtype=x.dtype), dst, num_segments=N)
    mean = agg / jnp.clip(deg, 1.0)[:, None]             # mean aggregation
    return mean @ Wl.T + x @ Wr.T + b


def reference(x, edge_index, W1l, W1r, b1, W2l, W2r, b2):
    h = _sage_conv(x, edge_index, W1l, W1r, b1)
    h = jax.nn.relu(h)
    # F.dropout with training=False is identity (eval mode)
    out = _sage_conv(h, edge_index, W2l, W2r, b2)
    return jax.nn.log_softmax(out, axis=1)

if __name__ == "__main__":
    import jax
    _d = setup_inputs()
    print(jax.jit(kernel)(*tuple(_d.values())))

</pallas_src>

<mosaic_0001>
#map = affine_map<(d0, d1) -> (0, 0)>
#map1 = affine_map<(d0, d1) -> (0, 0, 0)>
module attributes {stable_mosaic.version = 14 : i64} {
  func.func @_deg_body(%arg0: i32, %arg1: i32, %arg2: memref<2560x128xi32, #tpu.memory_space<hbm>>, %arg3: memref<632x8xf32, #tpu.memory_space<hbm>>, %arg4: memref<128x8xf32, #tpu.memory_space<hbm>>, %arg5: memref<2x10112x8xf32, #tpu.memory_space<hbm>>, %arg6: memref<80x128xi32, #tpu.memory_space<vmem>>, %arg7: memref<128x8xf32, #tpu.memory_space<vmem>>, %arg8: memref<10112x8xf32, #tpu.memory_space<vmem_shared>>) attributes {dimension_semantics = [#tpu.dimension_semantics<core_parallel>, #tpu.dimension_semantics<subcore_parallel>], iteration_bounds = array<i64: 2, 16>, scalar_prefetch = 0 : i64, scratch_operands = 3 : i64, tpu.core_type = #tpu.core_type<sc_vector_subcore>, window_params = [{transform_indices = #map}, {transform_indices = #map}, {transform_indices = #map}, {transform_indices = #map1}]} {
    %mul3A = arith.constant 16 : i32
    %mul3A_0 = arith.muli %arg0, %mul3A : i32
    %add3A = arith.addi %mul3A_0, %arg1 : i32
    %mul3A_1 = arith.constant 632 : i32
    %mul3A_2 = arith.muli %arg1, %mul3A_1 : i32
    "tpu.region"() ({
      %run_scoped3A = tpu.sem_alloc : memref<!tpu.dma_semaphore, #tpu.memory_space<semaphore_mem>>
      %dma_start3A = arith.constant 0 : i32
      %dma_start3A_11 = tpu.memref_slice %arg8[%mul3A_2, %dma_start3A] : memref<10112x8xf32, #tpu.memory_space<vmem_shared>> -> memref<632x8xf32, #tpu.memory_space<vmem_shared>>
      tpu.enqueue_dma source(%arg3 : memref<632x8xf32, #tpu.memory_space<hbm>>) target(%dma_start3A_11 : memref<632x8xf32, #tpu.memory_space<vmem_shared>>) target_semaphore(%run_scoped3A : memref<!tpu.dma_semaphore, #tpu.memory_space<semaphore_mem>>)
      %dma_wait3A = arith.constant 0 : i32
      %dma_wait3A_12 = tpu.memref_slice %arg8[%mul3A_2, %dma_wait3A] : memref<10112x8xf32, #tpu.memory_space<vmem_shared>> -> memref<632x8xf32, #tpu.memory_space<vmem_shared>>
      tpu.wait_dma2 semaphore(%run_scoped3A : memref<!tpu.dma_semaphore, #tpu.memory_space<semaphore_mem>>) src(%arg3 : memref<632x8xf32, #tpu.memory_space<hbm>>) dst(%dma_wait3A_12 : memref<632x8xf32, #tpu.memory_space<vmem_shared>>)
      tpu.yield
    }) : () -> ()
    %mul3A_3 = arith.constant 80 : i32
    %mul3A_4 = arith.muli %add3A, %mul3A_3 : i32
    "tpu.region"() ({
      %run_scoped3A = tpu.sem_alloc : memref<!tpu.dma_semaphore, #tpu.memory_space<semaphore_mem>>
      %dma_start3A = arith.constant 0 : i32
      %dma_start3A_11 = tpu.memref_slice %arg2[%mul3A_4, %dma_start3A] : memref<2560x128xi32, #tpu.memory_space<hbm>> -> memref<80x128xi32, #tpu.memory_space<hbm>>
      %dma_start3A_12 = arith.constant 0 : i32
      %dma_start3A_13 = tpu.memref_slice %arg2[%mul3A_4, %dma_start3A_12] : memref<2560x128xi32, #tpu.memory_space<hbm>> -> memref<80x128xi32, #tpu.memory_space<hbm>>
      tpu.enqueue_dma source(%dma_start3A_13 : memref<80x128xi32, #tpu.memory_space<hbm>>) target(%arg6 : memref<80x128xi32, #tpu.memory_space<vmem>>) target_semaphore(%run_scoped3A : memref<!tpu.dma_semaphore, #tpu.memory_space<semaphore_mem>>)
      %dma_wait3A = arith.constant 0 : i32
      %dma_wait3A_14 = tpu.memref_slice %arg2[%mul3A_4, %dma_wait3A] : memref<2560x128xi32, #tpu.memory_space<hbm>> -> memref<80x128xi32, #tpu.memory_space<hbm>>
      %dma_wait3A_15 = arith.constant 0 : i32
      %dma_wait3A_16 = tpu.memref_slice %arg2[%mul3A_4, %dma_wait3A_15] : memref<2560x128xi32, #tpu.memory_space<hbm>> -> memref<80x128xi32, #tpu.memory_space<hbm>>
      tpu.wait_dma2 semaphore(%run_scoped3A : memref<!tpu.dma_semaphore, #tpu.memory_space<semaphore_mem>>) src(%dma_wait3A_16 : memref<80x128xi32, #tpu.memory_space<hbm>>) dst(%arg6 : memref<80x128xi32, #tpu.memory_space<vmem>>)
      tpu.yield
    }) : () -> ()
    "tpu.region"() ({
      %run_scoped3A = tpu.sem_alloc : memref<!tpu.dma_semaphore, #tpu.memory_space<semaphore_mem>>
      tpu.enqueue_dma source(%arg4 : memref<128x8xf32, #tpu.memory_space<hbm>>) target(%arg7 : memref<128x8xf32, #tpu.memory_space<vmem>>) target_semaphore(%run_scoped3A : memref<!tpu.dma_semaphore, #tpu.memory_space<semaphore_mem>>)
      tpu.wait_dma2 semaphore(%run_scoped3A : memref<!tpu.dma_semaphore, #tpu.memory_space<semaphore_mem>>) src(%arg4 : memref<128x8xf32, #tpu.memory_space<hbm>>) dst(%arg7 : memref<128x8xf32, #tpu.memory_space<vmem>>)
      tpu.yield
    }) : () -> ()
    %barrier3A = arith.constant 0 : index
    tpu.barrier barrier_id(%barrier3A)
    %scan3A = arith.constant 0 : i32
    %scan3A_5 = arith.constant 0 : i32
    %scan3A_6 = arith.constant 80 : i32
    %scan3A_7 = arith.addi %scan3A_5, %scan3A_6 : i32
    %scan3A_8 = arith.constant 1 : i32
    scf.for %scan3A_11 = %scan3A_5 to %scan3A_7 step %scan3A_8  : i32 {
      "tpu.region"() ({
        %run_scoped3A = tpu.sem_alloc : memref<!tpu.dma_semaphore, #tpu.memory_space<semaphore_mem>>
        %dma_start3A = arith.constant 0 : i32
        %dma_start3A_12 = tpu.memref_slice %arg6[%scan3A_11, %dma_start3A] : memref<80x128xi32, #tpu.memory_space<vmem>> -> memref<1x128xi32, #tpu.memory_space<vmem>>
        %dma_start3A_13 = tpu.memref_squeeze %dma_start3A_12 : memref<1x128xi32, #tpu.memory_space<vmem>> -> memref<128xi32, #tpu.memory_space<vmem>>
        %dma_start3A_14 = arith.constant 0 : i32
        %dma_start3A_15 = arith.constant 0 : i32
        %dma_start3A_16 = tpu.memref_slice %arg8[%dma_start3A_14, %dma_start3A_15] : memref<10112x8xf32, #tpu.memory_space<vmem_shared>> -> memref<10112x8xf32, #tpu.memory_space<vmem_shared>>
        tpu.enqueue_indirect_dma source(%arg7 : memref<128x8xf32, #tpu.memory_space<vmem>>) target(%dma_start3A_16 : memref<10112x8xf32, #tpu.memory_space<vmem_shared>>) offsets(%dma_start3A_13 : memref<128xi32, #tpu.memory_space<vmem>>) semaphore(%run_scoped3A : memref<!tpu.dma_semaphore, #tpu.memory_space<semaphore_mem>>) {add = true}
        %dma_wait3A = arith.constant 0 : i32
        %dma_wait3A_17 = tpu.memref_slice %arg6[%scan3A_11, %dma_wait3A] : memref<80x128xi32, #tpu.memory_space<vmem>> -> memref<1x128xi32, #tpu.memory_space<vmem>>
        %dma_wait3A_18 = tpu.memref_squeeze %dma_wait3A_17 : memref<1x128xi32, #tpu.memory_space<vmem>> -> memref<128xi32, #tpu.memory_space<vmem>>
        %dma_wait3A_19 = arith.constant 0 : i32
        %dma_wait3A_20 = arith.constant 0 : i32
        %dma_wait3A_21 = tpu.memref_slice %arg8[%dma_wait3A_19, %dma_wait3A_20] : memref<10112x8xf32, #tpu.memory_space<vmem_shared>> -> memref<10112x8xf32, #tpu.memory_space<vmem_shared>>
        tpu.wait_indirect_dma semaphore(%run_scoped3A : memref<!tpu.dma_semaphore, #tpu.memory_space<semaphore_mem>>) src(%arg7 : memref<128x8xf32, #tpu.memory_space<vmem>>) dst(%dma_wait3A_21 : memref<10112x8xf32, #tpu.memory_space<vmem_shared>>)
        tpu.yield
      }) : () -> ()
    }
    %scan3A_9 = arith.constant 80 : i32
    %barrier3A_10 = arith.constant 0 : index
    tpu.barrier barrier_id(%barrier3A_10)
    "tpu.region"() ({
      %run_scoped3A = tpu.sem_alloc : memref<!tpu.dma_semaphore, #tpu.memory_space<semaphore_mem>>
      %dma_start3A = arith.constant 0 : i32
      %dma_start3A_11 = tpu.memref_slice %arg5[%arg0, %mul3A_2, %dma_start3A] : memref<2x10112x8xf32, #tpu.memory_space<hbm>> -> memref<1x632x8xf32, #tpu.memory_space<hbm>>
      %dma_start3A_12 = tpu.memref_squeeze %dma_start3A_11 : memref<1x632x8xf32, #tpu.memory_space<hbm>> -> memref<632x8xf32, #tpu.memory_space<hbm>>
      %dma_start3A_13 = arith.constant 0 : i32
      %dma_start3A_14 = tpu.memref_slice %arg8[%mul3A_2, %dma_start3A_13] : memref<10112x8xf32, #tpu.memory_space<vmem_shared>> -> memref<632x8xf32, #tpu.memory_space<vmem_shared>>
      tpu.enqueue_dma source(%dma_start3A_14 : memref<632x8xf32, #tpu.memory_space<vmem_shared>>) target(%dma_start3A_12 : memref<632x8xf32, #tpu.memory_space<hbm>>) target_semaphore(%run_scoped3A : memref<!tpu.dma_semaphore, #tpu.memory_space<semaphore_mem>>)
      %dma_wait3A = arith.constant 0 : i32
      %dma_wait3A_15 = tpu.memref_slice %arg5[%arg0, %mul3A_2, %dma_wait3A] : memref<2x10112x8xf32, #tpu.memory_space<hbm>> -> memref<1x632x8xf32, #tpu.memory_space<hbm>>
      %dma_wait3A_16 = tpu.memref_squeeze %dma_wait3A_15 : memref<1x632x8xf32, #tpu.memory_space<hbm>> -> memref<632x8xf32, #tpu.memory_space<hbm>>
      %dma_wait3A_17 = arith.constant 0 : i32
      %dma_wait3A_18 = tpu.memref_slice %arg8[%mul3A_2, %dma_wait3A_17] : memref<10112x8xf32, #tpu.memory_space<vmem_shared>> -> memref<632x8xf32, #tpu.memory_space<vmem_shared>>
      tpu.wait_dma2 semaphore(%run_scoped3A : memref<!tpu.dma_semaphore, #tpu.memory_space<semaphore_mem>>) src(%dma_wait3A_18 : memref<632x8xf32, #tpu.memory_space<vmem_shared>>) dst(%dma_wait3A_16 : memref<632x8xf32, #tpu.memory_space<hbm>>)
      tpu.yield
    }) : () -> ()
    return
  }
}

#map = affine_map<(d0, d1) -> (0, 0)>
#map1 = affine_map<(d0, d1) -> (0, 0, 0)>
module attributes {stable_mosaic.version = 14 : i64} {
  func.func @_agg_body(%arg0: i32, %arg1: i32, %arg2: memref<10000x128xf32, #tpu.memory_space<hbm>>, %arg3: memref<2560x128xi32, #tpu.memory_space<hbm>>, %arg4: memref<2560x128xi32, #tpu.memory_space<hbm>>, %arg5: memref<632x128xf32, #tpu.memory_space<hbm>>, %arg6: memref<2x10112x128xf32, #tpu.memory_space<hbm>>, %arg7: memref<40x128xi32, #tpu.memory_space<vmem>>, %arg8: memref<40x128xi32, #tpu.memory_space<vmem>>, %arg9: memref<128x128xf32, #tpu.memory_space<vmem>>, %arg10: memref<128x128xf32, #tpu.memory_space<vmem>>, %arg11: memref<!tpu.dma_semaphore, #tpu.memory_space<semaphore_mem>>, %arg12: memref<!tpu.dma_semaphore, #tpu.memory_space<semaphore_mem>>, %arg13: memref<10112x128xf32, #tpu.memory_space<vmem_shared>>) attributes {dimension_semantics = [#tpu.dimension_semantics<core_parallel>, #tpu.dimension_semantics<subcore_parallel>], iteration_bounds = array<i64: 2, 16>, scalar_prefetch = 0 : i64, scratch_operands = 7 : i64, tpu.core_type = #tpu.core_type<sc_vector_subcore>, window_params = [{transform_indices = #map}, {transform_indices = #map}, {transform_indices = #map}, {transform_indices = #map}, {transform_indices = #map1}]} {
    %mul3A = arith.constant 16 : i32
    %mul3A_0 = arith.muli %arg0, %mul3A : i32
    %add3A = arith.addi %mul3A_0, %arg1 : i32
    %mul3A_1 = arith.constant 632 : i32
    %mul3A_2 = arith.muli %arg1, %mul3A_1 : i32
    "tpu.region"() ({
      %run_scoped3A = tpu.sem_alloc : memref<!tpu.dma_semaphore, #tpu.memory_space<semaphore_mem>>
      %dma_start3A_58 = arith.constant 0 : i32
      %dma_start3A_59 = tpu.memref_slice %arg13[%mul3A_2, %dma_start3A_58] : memref<10112x128xf32, #tpu.memory_space<vmem_shared>> -> memref<632x128xf32, #tpu.memory_space<vmem_shared>>
      tpu.enqueue_dma source(%arg5 : memref<632x128xf32, #tpu.memory_space<hbm>>) target(%dma_start3A_59 : memref<632x128xf32, #tpu.memory_space<vmem_shared>>) target_semaphore(%run_scoped3A : memref<!tpu.dma_semaphore, #tpu.memory_space<semaphore_mem>>)
      %dma_wait3A = arith.constant 0 : i32
      %dma_wait3A_60 = tpu.memref_slice %arg13[%mul3A_2, %dma_wait3A] : memref<10112x128xf32, #tpu.memory_space<vmem_shared>> -> memref<632x128xf32, #tpu.memory_space<vmem_shared>>
      tpu.wait_dma2 semaphore(%run_scoped3A : memref<!tpu.dma_semaphore, #tpu.memory_space<semaphore_mem>>) src(%arg5 : memref<632x128xf32, #tpu.memory_space<hbm>>) dst(%dma_wait3A_60 : memref<632x128xf32, #tpu.memory_space<vmem_shared>>)
      tpu.yield
    }) : () -> ()
    %barrier3A = arith.constant 0 : index
    tpu.barrier barrier_id(%barrier3A)
    %mul3A_3 = arith.constant 80 : i32
    %mul3A_4 = arith.muli %add3A, %mul3A_3 : i32
    %add3A_5 = arith.constant 0 : i32
    %add3A_6 = arith.addi %mul3A_4, %add3A_5 : i32
    "tpu.region"() ({
      %run_scoped3A = tpu.sem_alloc : memref<!tpu.dma_semaphore, #tpu.memory_space<semaphore_mem>>
      %dma_start3A_58 = arith.constant 0 : i32
      %dma_start3A_59 = tpu.memref_slice %arg3[%add3A_6, %dma_start3A_58] : memref<2560x128xi32, #tpu.memory_space<hbm>> -> memref<40x128xi32, #tpu.memory_space<hbm>>
      %dma_start3A_60 = arith.constant 0 : i32
      %dma_start3A_61 = tpu.memref_slice %arg3[%add3A_6, %dma_start3A_60] : memref<2560x128xi32, #tpu.memory_space<hbm>> -> memref<40x128xi32, #tpu.memory_space<hbm>>
      tpu.enqueue_dma source(%dma_start3A_61 : memref<40x128xi32, #tpu.memory_space<hbm>>) target(%arg7 : memref<40x128xi32, #tpu.memory_space<vmem>>) target_semaphore(%run_scoped3A : memref<!tpu.dma_semaphore, #tpu.memory_space<semaphore_mem>>)
      %dma_wait3A = arith.constant 0 : i32
      %dma_wait3A_62 = tpu.memref_slice %arg3[%add3A_6, %dma_wait3A] : memref<2560x128xi32, #tpu.memory_space<hbm>> -> memref<40x128xi32, #tpu.memory_space<hbm>>
      %dma_wait3A_63 = arith.constant 0 : i32
      %dma_wait3A_64 = tpu.memref_slice %arg3[%add3A_6, %dma_wait3A_63] : memref<2560x128xi32, #tpu.memory_space<hbm>> -> memref<40x128xi32, #tpu.memory_space<hbm>>
      tpu.wait_dma2 semaphore(%run_scoped3A : memref<!tpu.dma_semaphore, #tpu.memory_space<semaphore_mem>>) src(%dma_wait3A_64 : memref<40x128xi32, #tpu.memory_space<hbm>>) dst(%arg7 : memref<40x128xi32, #tpu.memory_space<vmem>>)
      tpu.yield
    }) : () -> ()
    %mul3A_7 = arith.constant 80 : i32
    %mul3A_8 = arith.muli %add3A, %mul3A_7 : i32
    %add3A_9 = arith.constant 0 : i32
    %add3A_10 = arith.addi %mul3A_8, %add3A_9 : i32
    "tpu.region"() ({
      %run_scoped3A = tpu.sem_alloc : memref<!tpu.dma_semaphore, #tpu.memory_space<semaphore_mem>>
      %dma_start3A_58 = arith.constant 0 : i32
      %dma_start3A_59 = tpu.memref_slice %arg4[%add3A_10, %dma_start3A_58] : memref<2560x128xi32, #tpu.memory_space<hbm>> -> memref<40x128xi32, #tpu.memory_space<hbm>>
      %dma_start3A_60 = arith.constant 0 : i32
      %dma_start3A_61 = tpu.memref_slice %arg4[%add3A_10, %dma_start3A_60] : memref<2560x128xi32, #tpu.memory_space<hbm>> -> memref<40x128xi32, #tpu.memory_space<hbm>>
      tpu.enqueue_dma source(%dma_start3A_61 : memref<40x128xi32, #tpu.memory_space<hbm>>) target(%arg8 : memref<40x128xi32, #tpu.memory_space<vmem>>) target_semaphore(%run_scoped3A : memref<!tpu.dma_semaphore, #tpu.memory_space<semaphore_mem>>)
      %dma_wait3A = arith.constant 0 : i32
      %dma_wait3A_62 = tpu.memref_slice %arg4[%add3A_10, %dma_wait3A] : memref<2560x128xi32, #tpu.memory_space<hbm>> -> memref<40x128xi32, #tpu.memory_space<hbm>>
      %dma_wait3A_63 = arith.constant 0 : i32
      %dma_wait3A_64 = tpu.memref_slice %arg4[%add3A_10, %dma_wait3A_63] : memref<2560x128xi32, #tpu.memory_space<hbm>> -> memref<40x128xi32, #tpu.memory_space<hbm>>
      tpu.wait_dma2 semaphore(%run_scoped3A : memref<!tpu.dma_semaphore, #tpu.memory_space<semaphore_mem>>) src(%dma_wait3A_64 : memref<40x128xi32, #tpu.memory_space<hbm>>) dst(%arg8 : memref<40x128xi32, #tpu.memory_space<vmem>>)
      tpu.yield
    }) : () -> ()
    %dma_start3A = arith.constant 0 : i32
    %dma_start3A_11 = arith.constant 0 : i32
    %dma_start3A_12 = tpu.memref_slice %arg7[%dma_start3A, %dma_start3A_11] : memref<40x128xi32, #tpu.memory_space<vmem>> -> memref<1x128xi32, #tpu.memory_space<vmem>>
    %dma_start3A_13 = tpu.memref_squeeze %dma_start3A_12 : memref<1x128xi32, #tpu.memory_space<vmem>> -> memref<128xi32, #tpu.memory_space<vmem>>
    %dma_start3A_14 = arith.constant 0 : i32
    %dma_start3A_15 = arith.constant 0 : i32
    %dma_start3A_16 = tpu.memref_slice %arg2[%dma_start3A_14, %dma_start3A_15] : memref<10000x128xf32, #tpu.memory_space<hbm>> -> memref<10000x128xf32, #tpu.memory_space<hbm>>
    tpu.enqueue_indirect_dma source(%dma_start3A_16 : memref<10000x128xf32, #tpu.memory_space<hbm>>) target(%arg9 : memref<128x128xf32, #tpu.memory_space<vmem>>) offsets(%dma_start3A_13 : memref<128xi32, #tpu.memory_space<vmem>>) semaphore(%arg11 : memref<!tpu.dma_semaphore, #tpu.memory_space<semaphore_mem>>)
    %dma_start3A_17 = arith.constant 1 : i32
    %dma_start3A_18 = arith.constant 0 : i32
    %dma_start3A_19 = tpu.memref_slice %arg7[%dma_start3A_17, %dma_start3A_18] : memref<40x128xi32, #tpu.memory_space<vmem>> -> memref<1x128xi32, #tpu.memory_space<vmem>>
    %dma_start3A_20 = tpu.memref_squeeze %dma_start3A_19 : memref<1x128xi32, #tpu.memory_space<vmem>> -> memref<128xi32, #tpu.memory_space<vmem>>
    %dma_start3A_21 = arith.constant 0 : i32
    %dma_start3A_22 = arith.constant 0 : i32
    %dma_start3A_23 = tpu.memref_slice %arg2[%dma_start3A_21, %dma_start3A_22] : memref<10000x128xf32, #tpu.memory_space<hbm>> -> memref<10000x128xf32, #tpu.memory_space<hbm>>
    tpu.enqueue_indirect_dma source(%dma_start3A_23 : memref<10000x128xf32, #tpu.memory_space<hbm>>) target(%arg10 : memref<128x128xf32, #tpu.memory_space<vmem>>) offsets(%dma_start3A_20 : memref<128xi32, #tpu.memory_space<vmem>>) semaphore(%arg12 : memref<!tpu.dma_semaphore, #tpu.memory_space<semaphore_mem>>)
    %scan3A = arith.constant 0 : i32
    %scan3A_24 = arith.constant 0 : i32
    %scan3A_25 = arith.constant 20 : i32
    %scan3A_26 = arith.addi %scan3A_24, %scan3A_25 : i32
    %scan3A_27 = arith.constant 1 : i32
    scf.for %scan3A_58 = %scan3A_24 to %scan3A_26 step %scan3A_27  : i32 {
      %mul3A_59 = arith.constant 2 : i32
      %mul3A_60 = arith.muli %scan3A_58, %mul3A_59 : i32
      %add3A_61 = arith.constant 0 : i32
      %add3A_62 = arith.addi %mul3A_60, %add3A_61 : i32
      %dma_wait3A = arith.constant 0 : i32
      %dma_wait3A_63 = tpu.memref_slice %arg7[%add3A_62, %dma_wait3A] : memref<40x128xi32, #tpu.memory_space<vmem>> -> memref<1x128xi32, #tpu.memory_space<vmem>>
      %dma_wait3A_64 = tpu.memref_squeeze %dma_wait3A_63 : memref<1x128xi32, #tpu.memory_space<vmem>> -> memref<128xi32, #tpu.memory_space<vmem>>
      %dma_wait3A_65 = arith.constant 0 : i32
      %dma_wait3A_66 = arith.constant 0 : i32
      %dma_wait3A_67 = tpu.memref_slice %arg2[%dma_wait3A_65, %dma_wait3A_66] : memref<10000x128xf32, #tpu.memory_space<hbm>> -> memref<10000x128xf32, #tpu.memory_space<hbm>>
      tpu.wait_indirect_dma semaphore(%arg11 : memref<!tpu.dma_semaphore, #tpu.memory_space<semaphore_mem>>) src(%dma_wait3A_67 : memref<10000x128xf32, #tpu.memory_space<hbm>>) dst(%arg9 : memref<128x128xf32, #tpu.memory_space<vmem>>)
      "tpu.region"() ({
        %run_scoped3A = tpu.sem_alloc : memref<!tpu.dma_semaphore, #tpu.memory_space<semaphore_mem>>
        %dma_start3A_89 = arith.constant 0 : i32
        %dma_start3A_90 = tpu.memref_slice %arg8[%add3A_62, %dma_start3A_89] : memref<40x128xi32, #tpu.memory_space<vmem>> -> memref<1x128xi32, #tpu.memory_space<vmem>>
        %dma_start3A_91 = tpu.memref_squeeze %dma_start3A_90 : memref<1x128xi32, #tpu.memory_space<vmem>> -> memref<128xi32, #tpu.memory_space<vmem>>
        %dma_start3A_92 = arith.constant 0 : i32
        %dma_start3A_93 = arith.constant 0 : i32
        %dma_start3A_94 = tpu.memref_slice %arg13[%dma_start3A_92, %dma_start3A_93] : memref<10112x128xf32, #tpu.memory_space<vmem_shared>> -> memref<10112x128xf32, #tpu.memory_space<vmem_shared>>
        tpu.enqueue_indirect_dma source(%arg9 : memref<128x128xf32, #tpu.memory_space<vmem>>) target(%dma_start3A_94 : memref<10112x128xf32, #tpu.memory_space<vmem_shared>>) offsets(%dma_start3A_91 : memref<128xi32, #tpu.memory_space<vmem>>) semaphore(%run_scoped3A : memref<!tpu.dma_semaphore, #tpu.memory_space<semaphore_mem>>) {add = true}
        %dma_wait3A_95 = arith.constant 0 : i32
        %dma_wait3A_96 = tpu.memref_slice %arg8[%add3A_62, %dma_wait3A_95] : memref<40x128xi32, #tpu.memory_space<vmem>> -> memref<1x128xi32, #tpu.memory_space<vmem>>
        %dma_wait3A_97 = tpu.memref_squeeze %dma_wait3A_96 : memref<1x128xi32, #tpu.memory_space<vmem>> -> memref<128xi32, #tpu.memory_space<vmem>>
        %dma_wait3A_98 = arith.constant 0 : i32
        %dma_wait3A_99 = arith.constant 0 : i32
        %dma_wait3A_100 = tpu.memref_slice %arg13[%dma_wait3A_98, %dma_wait3A_99] : memref<10112x128xf32, #tpu.memory_space<vmem_shared>> -> memref<10112x128xf32, #tpu.memory_space<vmem_shared>>
        tpu.wait_indirect_dma semaphore(%run_scoped3A : memref<!tpu.dma_semaphore, #tpu.memory_space<semaphore_mem>>) src(%arg9 : memref<128x128xf32, #tpu.memory_space<vmem>>) dst(%dma_wait3A_100 : memref<10112x128xf32, #tpu.memory_space<vmem_shared>>)
        tpu.yield
      }) : () -> ()
      %add3A_68 = arith.constant 2 : i32
      %add3A_69 = arith.addi %add3A_62, %add3A_68 : i32
      %lt3A = arith.constant 40 : i32
      %lt3A_70 = arith.cmpi slt, %add3A_69, %lt3A : i32
      %convert_element_type3A = arith.extui %lt3A_70 : i1 to i32
      %cond3A = arith.constant 0 : i32
      %cond3A_71 = arith.cmpi ne, %convert_element_type3A, %cond3A : i32
      scf.if %cond3A_71 {
        %dma_start3A_89 = arith.constant 0 : i32
        %dma_start3A_90 = tpu.memref_slice %arg7[%add3A_69, %dma_start3A_89] : memref<40x128xi32, #tpu.memory_space<vmem>> -> memref<1x128xi32, #tpu.memory_space<vmem>>
        %dma_start3A_91 = tpu.memref_squeeze %dma_start3A_90 : memref<1x128xi32, #tpu.memory_space<vmem>> -> memref<128xi32, #tpu.memory_space<vmem>>
        %dma_start3A_92 = arith.constant 0 : i32
        %dma_start3A_93 = arith.constant 0 : i32
        %dma_start3A_94 = tpu.memref_slice %arg2[%dma_start3A_92, %dma_start3A_93] : memref<10000x128xf32, #tpu.memory_space<hbm>> -> memref<10000x128xf32, #tpu.memory_space<hbm>>
        tpu.enqueue_indirect_dma source(%dma_start3A_94 : memref<10000x128xf32, #tpu.memory_space<hbm>>) target(%arg9 : memref<128x128xf32, #tpu.memory_space<vmem>>) offsets(%dma_start3A_91 : memref<128xi32, #tpu.memory_space<vmem>>) semaphore(%arg11 : memref<!tpu.dma_semaphore, #tpu.memory_space<semaphore_mem>>)
      } else {
      }
      %mul3A_72 = arith.constant 2 : i32
      %mul3A_73 = arith.muli %scan3A_58, %mul3A_72 : i32
      %add3A_74 = arith.constant 1 : i32
      %add3A_75 = arith.addi %mul3A_73, %add3A_74 : i32
      %dma_wait3A_76 = arith.constant 0 : i32
      %dma_wait3A_77 = tpu.memref_slice %arg7[%add3A_75, %dma_wait3A_76] : memref<40x128xi32, #tpu.memory_space<vmem>> -> memref<1x128xi32, #tpu.memory_space<vmem>>
      %dma_wait3A_78 = tpu.memref_squeeze %dma_wait3A_77 : memref<1x128xi32, #tpu.memory_space<vmem>> -> memref<128xi32, #tpu.memory_space<vmem>>
      %dma_wait3A_79 = arith.constant 0 : i32
      %dma_wait3A_80 = arith.constant 0 : i32
      %dma_wait3A_81 = tpu.memref_slice %arg2[%dma_wait3A_79, %dma_wait3A_80] : memref<10000x128xf32, #tpu.memory_space<hbm>> -> memref<10000x128xf32, #tpu.memory_space<hbm>>
      tpu.wait_indirect_dma semaphore(%arg12 : memref<!tpu.dma_semaphore, #tpu.memory_space<semaphore_mem>>) src(%dma_wait3A_81 : memref<10000x128xf32, #tpu.memory_space<hbm>>) dst(%arg10 : memref<128x128xf32, #tpu.memory_space<vmem>>)
      "tpu.region"() ({
        %run_scoped3A = tpu.sem_alloc : memref<!tpu.dma_semaphore, #tpu.memory_space<semaphore_mem>>
        %dma_start3A_89 = arith.constant 0 : i32
        %dma_start3A_90 = tpu.memref_slice %arg8[%add3A_75, %dma_start3A_89] : memref<40x128xi32, #tpu.memory_space<vmem>> -> memref<1x128xi32, #tpu.memory_space<vmem>>
        %dma_start3A_91 = tpu.memref_squeeze %dma_start3A_90 : memref<1x128xi32, #tpu.memory_space<vmem>> -> memref<128xi32, #tpu.memory_space<vmem>>
        %dma_start3A_92 = arith.constant 0 : i32
        %dma_start3A_93 = arith.constant 0 : i32
        %dma_start3A_94 = tpu.memref_slice %arg13[%dma_start3A_92, %dma_start3A_93] : memref<10112x128xf32, #tpu.memory_space<vmem_shared>> -> memref<10112x128xf32, #tpu.memory_space<vmem_shared>>
        tpu.enqueue_indirect_dma source(%arg10 : memref<128x128xf32, #tpu.memory_space<vmem>>) target(%dma_start3A_94 : memref<10112x128xf32, #tpu.memory_space<vmem_shared>>) offsets(%dma_start3A_91 : memref<128xi32, #tpu.memory_space<vmem>>) semaphore(%run_scoped3A : memref<!tpu.dma_semaphore, #tpu.memory_space<semaphore_mem>>) {add = true}
        %dma_wait3A_95 = arith.constant 0 : i32
        %dma_wait3A_96 = tpu.memref_slice %arg8[%add3A_75, %dma_wait3A_95] : memref<40x128xi32, #tpu.memory_space<vmem>> -> memref<1x128xi32, #tpu.memory_space<vmem>>
        %dma_wait3A_97 = tpu.memref_squeeze %dma_wait3A_96 : memref<1x128xi32, #tpu.memory_space<vmem>> -> memref<128xi32, #tpu.memory_space<vmem>>
        %dma_wait3A_98 = arith.constant 0 : i32
        %dma_wait3A_99 = arith.constant 0 : i32
        %dma_wait3A_100 = tpu.memref_slice %arg13[%dma_wait3A_98, %dma_wait3A_99] : memref<10112x128xf32, #tpu.memory_space<vmem_shared>> -> memref<10112x128xf32, #tpu.memory_space<vmem_shared>>
        tpu.wait_indirect_dma semaphore(%run_scoped3A : memref<!tpu.dma_semaphore, #tpu.memory_space<semaphore_mem>>) src(%arg10 : memref<128x128xf32, #tpu.memory_space<vmem>>) dst(%dma_wait3A_100 : memref<10112x128xf32, #tpu.memory_space<vmem_shared>>)
        tpu.yield
      }) : () -> ()
      %add3A_82 = arith.constant 2 : i32
      %add3A_83 = arith.addi %add3A_75, %add3A_82 : i32
      %lt3A_84 = arith.constant 40 : i32
      %lt3A_85 = arith.cmpi slt, %add3A_83, %lt3A_84 : i32
      %convert_element_type3A_86 = arith.extui %lt3A_85 : i1 to i32
      %cond3A_87 = arith.constant 0 : i32
      %cond3A_88 = arith.cmpi ne, %convert_element_type3A_86, %cond3A_87 : i32
      scf.if %cond3A_88 {
        %dma_start3A_89 = arith.constant 0 : i32
        %dma_start3A_90 = tpu.memref_slice %arg7[%add3A_83, %dma_start3A_89] : memref<40x128xi32, #tpu.memory_space<vmem>> -> memref<1x128xi32, #tpu.memory_space<vmem>>
        %dma_start3A_91 = tpu.memref_squeeze %dma_start3A_90 : memref<1x128xi32, #tpu.memory_space<vmem>> -> memref<128xi32, #tpu.memory_space<vmem>>
        %dma_start3A_92 = arith.constant 0 : i32
        %dma_start3A_93 = arith.constant 0 : i32
        %dma_start3A_94 = tpu.memref_slice %arg2[%dma_start3A_92, %dma_start3A_93] : memref<10000x128xf32, #tpu.memory_space<hbm>> -> memref<10000x128xf32, #tpu.memory_space<hbm>>
        tpu.enqueue_indirect_dma source(%dma_start3A_94 : memref<10000x128xf32, #tpu.memory_space<hbm>>) target(%arg10 : memref<128x128xf32, #tpu.memory_space<vmem>>) offsets(%dma_start3A_91 : memref<128xi32, #tpu.memory_space<vmem>>) semaphore(%arg12 : memref<!tpu.dma_semaphore, #tpu.memory_space<semaphore_mem>>)
      } else {
      }
    }
    %scan3A_28 = arith.constant 20 : i32
    %mul3A_29 = arith.constant 80 : i32
    %mul3A_30 = arith.muli %add3A, %mul3A_29 : i32
    %add3A_31 = arith.constant 40 : i32
    %add3A_32 = arith.addi %mul3A_30, %add3A_31 : i32
    "tpu.region"() ({
      %run_scoped3A = tpu.sem_alloc : memref<!tpu.dma_semaphore, #tpu.memory_space<semaphore_mem>>
      %dma_start3A_58 = arith.constant 0 : i32
      %dma_start3A_59 = tpu.memref_slice %arg3[%add3A_32, %dma_start3A_58] : memref<2560x128xi32, #tpu.memory_space<hbm>> -> memref<40x128xi32, #tpu.memory_space<hbm>>
      %dma_start3A_60 = arith.constant 0 : i32
      %dma_start3A_61 = tpu.memref_slice %arg3[%add3A_32, %dma_start3A_60] : memref<2560x128xi32, #tpu.memory_space<hbm>> -> memref<40x128xi32, #tpu.memory_space<hbm>>
      tpu.enqueue_dma source(%dma_start3A_61 : memref<40x128xi32, #tpu.memory_space<hbm>>) target(%arg7 : memref<40x128xi32, #tpu.memory_space<vmem>>) target_semaphore(%run_scoped3A : memref<!tpu.dma_semaphore, #tpu.memory_space<semaphore_mem>>)
      %dma_wait3A = arith.constant 0 : i32
      %dma_wait3A_62 = tpu.memref_slice %arg3[%add3A_32, %dma_wait3A] : memref<2560x128xi32, #tpu.memory_space<hbm>> -> memref<40x128xi32, #tpu.memory_space<hbm>>
      %dma_wait3A_63 = arith.constant 0 : i32
      %dma_wait3A_64 = tpu.memref_slice %arg3[%add3A_32, %dma_wait3A_63] : memref<2560x128xi32, #tpu.memory_space<hbm>> -> memref<40x128xi32, #tpu.memory_space<hbm>>
      tpu.wait_dma2 semaphore(%run_scoped3A : memref<!tpu.dma_semaphore, #tpu.memory_space<semaphore_mem>>) src(%dma_wait3A_64 : memref<40x128xi32, #tpu.memory_space<hbm>>) dst(%arg7 : memref<40x128xi32, #tpu.memory_space<vmem>>)
      tpu.yield
    }) : () -> ()
    %mul3A_33 = arith.constant 80 : i32
    %mul3A_34 = arith.muli %add3A, %mul3A_33 : i32
    %add3A_35 = arith.constant 40 : i32
    %add3A_36 = arith.addi %mul3A_34, %add3A_35 : i32
    "tpu.region"() ({
      %run_scoped3A = tpu.sem_alloc : memref<!tpu.dma_semaphore, #tpu.memory_space<semaphore_mem>>
      %dma_start3A_58 = arith.constant 0 : i32
      %dma_start3A_59 = tpu.memref_slice %arg4[%add3A_36, %dma_start3A_58] : memref<2560x128xi32, #tpu.memory_space<hbm>> -> memref<40x128xi32, #tpu.memory_space<hbm>>
      %dma_start3A_60 = arith.constant 0 : i32
      %dma_start3A_61 = tpu.memref_slice %arg4[%add3A_36, %dma_start3A_60] : memref<2560x128xi32, #tpu.memory_space<hbm>> -> memref<40x128xi32, #tpu.memory_space<hbm>>
      tpu.enqueue_dma source(%dma_start3A_61 : memref<40x128xi32, #tpu.memory_space<hbm>>) target(%arg8 : memref<40x128xi32, #tpu.memory_space<vmem>>) target_semaphore(%run_scoped3A : memref<!tpu.dma_semaphore, #tpu.memory_space<semaphore_mem>>)
      %dma_wait3A = arith.constant 0 : i32
      %dma_wait3A_62 = tpu.memref_slice %arg4[%add3A_36, %dma_wait3A] : memref<2560x128xi32, #tpu.memory_space<hbm>> -> memref<40x128xi32, #tpu.memory_space<hbm>>
      %dma_wait3A_63 = arith.constant 0 : i32
      %dma_wait3A_64 = tpu.memref_slice %arg4[%add3A_36, %dma_wait3A_63] : memref<2560x128xi32, #tpu.memory_space<hbm>> -> memref<40x128xi32, #tpu.memory_space<hbm>>
      tpu.wait_dma2 semaphore(%run_scoped3A : memref<!tpu.dma_semaphore, #tpu.memory_space<semaphore_mem>>) src(%dma_wait3A_64 : memref<40x128xi32, #tpu.memory_space<hbm>>) dst(%arg8 : memref<40x128xi32, #tpu.memory_space<vmem>>)
      tpu.yield
    }) : () -> ()
    %dma_start3A_37 = arith.constant 0 : i32
    %dma_start3A_38 = arith.constant 0 : i32
    %dma_start3A_39 = tpu.memref_slice %arg7[%dma_start3A_37, %dma_start3A_38] : memref<40x128xi32, #tpu.memory_space<vmem>> -> memref<1x128xi32, #tpu.memory_space<vmem>>
    %dma_start3A_40 = tpu.memref_squeeze %dma_start3A_39 : memref<1x128xi32, #tpu.memory_space<vmem>> -> memref<128xi32, #tpu.memory_space<vmem>>
    %dma_start3A_41 = arith.constant 0 : i32
    %dma_start3A_42 = arith.constant 0 : i32
    %dma_start3A_43 = tpu.memref_slice %arg2[%dma_start3A_41, %dma_start3A_42] : memref<10000x128xf32, #tpu.memory_space<hbm>> -> memref<10000x128xf32, #tpu.memory_space<hbm>>
    tpu.enqueue_indirect_dma source(%dma_start3A_43 : memref<10000x128xf32, #tpu.memory_space<hbm>>) target(%arg9 : memref<128x128xf32, #tpu.memory_space<vmem>>) offsets(%dma_start3A_40 : memref<128xi32, #tpu.memory_space<vmem>>) semaphore(%arg11 : memref<!tpu.dma_semaphore, #tpu.memory_space<semaphore_mem>>)
    %dma_start3A_44 = arith.constant 1 : i32
    %dma_start3A_45 = arith.constant 0 : i32
    %dma_start3A_46 = tpu.memref_slice %arg7[%dma_start3A_44, %dma_start3A_45] : memref<40x128xi32, #tpu.memory_space<vmem>> -> memref<1x128xi32, #tpu.memory_space<vmem>>
    %dma_start3A_47 = tpu.memref_squeeze %dma_start3A_46 : memref<1x128xi32, #tpu.memory_space<vmem>> -> memref<128xi32, #tpu.memory_space<vmem>>
    %dma_start3A_48 = arith.constant 0 : i32
    %dma_start3A_49 = arith.constant 0 : i32
    %dma_start3A_50 = tpu.memref_slice %arg2[%dma_start3A_48, %dma_start3A_49] : memref<10000x128xf32, #tpu.memory_space<hbm>> -> memref<10000x128xf32, #tpu.memory_space<hbm>>
    tpu.enqueue_indirect_dma source(%dma_start3A_50 : memref<10000x128xf32, #tpu.memory_space<hbm>>) target(%arg10 : memref<128x128xf32, #tpu.memory_space<vmem>>) offsets(%dma_start3A_47 : memref<128xi32, #tpu.memory_space<vmem>>) semaphore(%arg12 : memref<!tpu.dma_semaphore, #tpu.memory_space<semaphore_mem>>)
    %scan3A_51 = arith.constant 0 : i32
    %scan3A_52 = arith.constant 0 : i32
    %scan3A_53 = arith.constant 20 : i32
    %scan3A_54 = arith.addi %scan3A_52, %scan3A_53 : i32
    %scan3A_55 = arith.constant 1 : i32
    scf.for %scan3A_58 = %scan3A_52 to %scan3A_54 step %scan3A_55  : i32 {
      %mul3A_59 = arith.constant 2 : i32
      %mul3A_60 = arith.muli %scan3A_58, %mul3A_59 : i32
      %add3A_61 = arith.constant 0 : i32
      %add3A_62 = arith.addi %mul3A_60, %add3A_61 : i32
      %dma_wait3A = arith.constant 0 : i32
      %dma_wait3A_63 = tpu.memref_slice %arg7[%add3A_62, %dma_wait3A] : memref<40x128xi32, #tpu.memory_space<vmem>> -> memref<1x128xi32, #tpu.memory_space<vmem>>
      %dma_wait3A_64 = tpu.memref_squeeze %dma_wait3A_63 : memref<1x128xi32, #tpu.memory_space<vmem>> -> memref<128xi32, #tpu.memory_space<vmem>>
      %dma_wait3A_65 = arith.constant 0 : i32
      %dma_wait3A_66 = arith.constant 0 : i32
      %dma_wait3A_67 = tpu.memref_slice %arg2[%dma_wait3A_65, %dma_wait3A_66] : memref<10000x128xf32, #tpu.memory_space<hbm>> -> memref<10000x128xf32, #tpu.memory_space<hbm>>
      tpu.wait_indirect_dma semaphore(%arg11 : memref<!tpu.dma_semaphore, #tpu.memory_space<semaphore_mem>>) src(%dma_wait3A_67 : memref<10000x128xf32, #tpu.memory_space<hbm>>) dst(%arg9 : memref<128x128xf32, #tpu.memory_space<vmem>>)
      "tpu.region"() ({
        %run_scoped3A = tpu.sem_alloc : memref<!tpu.dma_semaphore, #tpu.memory_space<semaphore_mem>>
        %dma_start3A_89 = arith.constant 0 : i32
        %dma_start3A_90 = tpu.memref_slice %arg8[%add3A_62, %dma_start3A_89] : memref<40x128xi32, #tpu.memory_space<vmem>> -> memref<1x128xi32, #tpu.memory_space<vmem>>
        %dma_start3A_91 = tpu.memref_squeeze %dma_start3A_90 : memref<1x128xi32, #tpu.memory_space<vmem>> -> memref<128xi32, #tpu.memory_space<vmem>>
        %dma_start3A_92 = arith.constant 0 : i32
        %dma_start3A_93 = arith.constant 0 : i32
        %dma_start3A_94 = tpu.memref_slice %arg13[%dma_start3A_92, %dma_start3A_93] : memref<10112x128xf32, #tpu.memory_space<vmem_shared>> -> memref<10112x128xf32, #tpu.memory_space<vmem_shared>>
        tpu.enqueue_indirect_dma source(%arg9 : memref<128x128xf32, #tpu.memory_space<vmem>>) target(%dma_start3A_94 : memref<10112x128xf32, #tpu.memory_space<vmem_shared>>) offsets(%dma_start3A_91 : memref<128xi32, #tpu.memory_space<vmem>>) semaphore(%run_scoped3A : memref<!tpu.dma_semaphore, #tpu.memory_space<semaphore_mem>>) {add = true}
        %dma_wait3A_95 = arith.constant 0 : i32
        %dma_wait3A_96 = tpu.memref_slice %arg8[%add3A_62, %dma_wait3A_95] : memref<40x128xi32, #tpu.memory_space<vmem>> -> memref<1x128xi32, #tpu.memory_space<vmem>>
        %dma_wait3A_97 = tpu.memref_squeeze %dma_wait3A_96 : memref<1x128xi32, #tpu.memory_space<vmem>> -> memref<128xi32, #tpu.memory_space<vmem>>
        %dma_wait3A_98 = arith.constant 0 : i32
        %dma_wait3A_99 = arith.constant 0 : i32
        %dma_wait3A_100 = tpu.memref_slice %arg13[%dma_wait3A_98, %dma_wait3A_99] : memref<10112x128xf32, #tpu.memory_space<vmem_shared>> -> memref<10112x128xf32, #tpu.memory_space<vmem_shared>>
        tpu.wait_indirect_dma semaphore(%run_scoped3A : memref<!tpu.dma_semaphore, #tpu.memory_space<semaphore_mem>>) src(%arg9 : memref<128x128xf32, #tpu.memory_space<vmem>>) dst(%dma_wait3A_100 : memref<10112x128xf32, #tpu.memory_space<vmem_shared>>)
        tpu.yield
      }) : () -> ()
      %add3A_68 = arith.constant 2 : i32
      %add3A_69 = arith.addi %add3A_62, %add3A_68 : i32
      %lt3A = arith.constant 40 : i32
      %lt3A_70 = arith.cmpi slt, %add3A_69, %lt3A : i32
      %convert_element_type3A = arith.extui %lt3A_70 : i1 to i32
      %cond3A = arith.constant 0 : i32
      %cond3A_71 = arith.cmpi ne, %convert_element_type3A, %cond3A : i32
      scf.if %cond3A_71 {
        %dma_start3A_89 = arith.constant 0 : i32
        %dma_start3A_90 = tpu.memref_slice %arg7[%add3A_69, %dma_start3A_89] : memref<40x128xi32, #tpu.memory_space<vmem>> -> memref<1x128xi32, #tpu.memory_space<vmem>>
        %dma_start3A_91 = tpu.memref_squeeze %dma_start3A_90 : memref<1x128xi32, #tpu.memory_space<vmem>> -> memref<128xi32, #tpu.memory_space<vmem>>
        %dma_start3A_92 = arith.constant 0 : i32
        %dma_start3A_93 = arith.constant 0 : i32
        %dma_start3A_94 = tpu.memref_slice %arg2[%dma_start3A_92, %dma_start3A_93] : memref<10000x128xf32, #tpu.memory_space<hbm>> -> memref<10000x128xf32, #tpu.memory_space<hbm>>
        tpu.enqueue_indirect_dma source(%dma_start3A_94 : memref<10000x128xf32, #tpu.memory_space<hbm>>) target(%arg9 : memref<128x128xf32, #tpu.memory_space<vmem>>) offsets(%dma_start3A_91 : memref<128xi32, #tpu.memory_space<vmem>>) semaphore(%arg11 : memref<!tpu.dma_semaphore, #tpu.memory_space<semaphore_mem>>)
      } else {
      }
      %mul3A_72 = arith.constant 2 : i32
      %mul3A_73 = arith.muli %scan3A_58, %mul3A_72 : i32
      %add3A_74 = arith.constant 1 : i32
      %add3A_75 = arith.addi %mul3A_73, %add3A_74 : i32
      %dma_wait3A_76 = arith.constant 0 : i32
      %dma_wait3A_77 = tpu.memref_slice %arg7[%add3A_75, %dma_wait3A_76] : memref<40x128xi32, #tpu.memory_space<vmem>> -> memref<1x128xi32, #tpu.memory_space<vmem>>
      %dma_wait3A_78 = tpu.memref_squeeze %dma_wait3A_77 : memref<1x128xi32, #tpu.memory_space<vmem>> -> memref<128xi32, #tpu.memory_space<vmem>>
      %dma_wait3A_79 = arith.constant 0 : i32
      %dma_wait3A_80 = arith.constant 0 : i32
      %dma_wait3A_81 = tpu.memref_slice %arg2[%dma_wait3A_79, %dma_wait3A_80] : memref<10000x128xf32, #tpu.memory_space<hbm>> -> memref<10000x128xf32, #tpu.memory_space<hbm>>
      tpu.wait_indirect_dma semaphore(%arg12 : memref<!tpu.dma_semaphore, #tpu.memory_space<semaphore_mem>>) src(%dma_wait3A_81 : memref<10000x128xf32, #tpu.memory_space<hbm>>) dst(%arg10 : memref<128x128xf32, #tpu.memory_space<vmem>>)
      "tpu.region"() ({
        %run_scoped3A = tpu.sem_alloc : memref<!tpu.dma_semaphore, #tpu.memory_space<semaphore_mem>>
        %dma_start3A_89 = arith.constant 0 : i32
        %dma_start3A_90 = tpu.memref_slice %arg8[%add3A_75, %dma_start3A_89] : memref<40x128xi32, #tpu.memory_space<vmem>> -> memref<1x128xi32, #tpu.memory_space<vmem>>
        %dma_start3A_91 = tpu.memref_squeeze %dma_start3A_90 : memref<1x128xi32, #tpu.memory_space<vmem>> -> memref<128xi32, #tpu.memory_space<vmem>>
        %dma_start3A_92 = arith.constant 0 : i32
        %dma_start3A_93 = arith.constant 0 : i32
        %dma_start3A_94 = tpu.memref_slice %arg13[%dma_start3A_92, %dma_start3A_93] : memref<10112x128xf32, #tpu.memory_space<vmem_shared>> -> memref<10112x128xf32, #tpu.memory_space<vmem_shared>>
        tpu.enqueue_indirect_dma source(%arg10 : memref<128x128xf32, #tpu.memory_space<vmem>>) target(%dma_start3A_94 : memref<10112x128xf32, #tpu.memory_space<vmem_shared>>) offsets(%dma_start3A_91 : memref<128xi32, #tpu.memory_space<vmem>>) semaphore(%run_scoped3A : memref<!tpu.dma_semaphore, #tpu.memory_space<semaphore_mem>>) {add = true}
        %dma_wait3A_95 = arith.constant 0 : i32
        %dma_wait3A_96 = tpu.memref_slice %arg8[%add3A_75, %dma_wait3A_95] : memref<40x128xi32, #tpu.memory_space<vmem>> -> memref<1x128xi32, #tpu.memory_space<vmem>>
        %dma_wait3A_97 = tpu.memref_squeeze %dma_wait3A_96 : memref<1x128xi32, #tpu.memory_space<vmem>> -> memref<128xi32, #tpu.memory_space<vmem>>
        %dma_wait3A_98 = arith.constant 0 : i32
        %dma_wait3A_99 = arith.constant 0 : i32
        %dma_wait3A_100 = tpu.memref_slice %arg13[%dma_wait3A_98, %dma_wait3A_99] : memref<10112x128xf32, #tpu.memory_space<vmem_shared>> -> memref<10112x128xf32, #tpu.memory_space<vmem_shared>>
        tpu.wait_indirect_dma semaphore(%run_scoped3A : memref<!tpu.dma_semaphore, #tpu.memory_space<semaphore_mem>>) src(%arg10 : memref<128x128xf32, #tpu.memory_space<vmem>>) dst(%dma_wait3A_100 : memref<10112x128xf32, #tpu.memory_space<vmem_shared>>)
        tpu.yield
      }) : () -> ()
      %add3A_82 = arith.constant 2 : i32
      %add3A_83 = arith.addi %add3A_75, %add3A_82 : i32
      %lt3A_84 = arith.constant 40 : i32
      %lt3A_85 = arith.cmpi slt, %add3A_83, %lt3A_84 : i32
      %convert_element_type3A_86 = arith.extui %lt3A_85 : i1 to i32
      %cond3A_87 = arith.constant 0 : i32
      %cond3A_88 = arith.cmpi ne, %convert_element_type3A_86, %cond3A_87 : i32
      scf.if %cond3A_88 {
        %dma_start3A_89 = arith.constant 0 : i32
        %dma_start3A_90 = tpu.memref_slice %arg7[%add3A_83, %dma_start3A_89] : memref<40x128xi32, #tpu.memory_space<vmem>> -> memref<1x128xi32, #tpu.memory_space<vmem>>
        %dma_start3A_91 = tpu.memref_squeeze %dma_start3A_90 : memref<1x128xi32, #tpu.memory_space<vmem>> -> memref<128xi32, #tpu.memory_space<vmem>>
        %dma_start3A_92 = arith.constant 0 : i32
        %dma_start3A_93 = arith.constant 0 : i32
        %dma_start3A_94 = tpu.memref_slice %arg2[%dma_start3A_92, %dma_start3A_93] : memref<10000x128xf32, #tpu.memory_space<hbm>> -> memref<10000x128xf32, #tpu.memory_space<hbm>>
        tpu.enqueue_indirect_dma source(%dma_start3A_94 : memref<10000x128xf32, #tpu.memory_space<hbm>>) target(%arg10 : memref<128x128xf32, #tpu.memory_space<vmem>>) offsets(%dma_start3A_91 : memref<128xi32, #tpu.memory_space<vmem>>) semaphore(%arg12 : memref<!tpu.dma_semaphore, #tpu.memory_space<semaphore_mem>>)
      } else {
      }
    }
    %scan3A_56 = arith.constant 20 : i32
    %barrier3A_57 = arith.constant 0 : index
    tpu.barrier barrier_id(%barrier3A_57)
    "tpu.region"() ({
      %run_scoped3A = tpu.sem_alloc : memref<!tpu.dma_semaphore, #tpu.memory_space<semaphore_mem>>
      %dma_start3A_58 = arith.constant 0 : i32
      %dma_start3A_59 = tpu.memref_slice %arg6[%arg0, %mul3A_2, %dma_start3A_58] : memref<2x10112x128xf32, #tpu.memory_space<hbm>> -> memref<1x632x128xf32, #tpu.memory_space<hbm>>
      %dma_start3A_60 = tpu.memref_squeeze %dma_start3A_59 : memref<1x632x128xf32, #tpu.memory_space<hbm>> -> memref<632x128xf32, #tpu.memory_space<hbm>>
      %dma_start3A_61 = arith.constant 0 : i32
      %dma_start3A_62 = tpu.memref_slice %arg13[%mul3A_2, %dma_start3A_61] : memref<10112x128xf32, #tpu.memory_space<vmem_shared>> -> memref<632x128xf32, #tpu.memory_space<vmem_shared>>
      tpu.enqueue_dma source(%dma_start3A_62 : memref<632x128xf32, #tpu.memory_space<vmem_shared>>) target(%dma_start3A_60 : memref<632x128xf32, #tpu.memory_space<hbm>>) target_semaphore(%run_scoped3A : memref<!tpu.dma_semaphore, #tpu.memory_space<semaphore_mem>>)
      %dma_wait3A = arith.constant 0 : i32
      %dma_wait3A_63 = tpu.memref_slice %arg6[%arg0, %mul3A_2, %dma_wait3A] : memref<2x10112x128xf32, #tpu.memory_space<hbm>> -> memref<1x632x128xf32, #tpu.memory_space<hbm>>
      %dma_wait3A_64 = tpu.memref_squeeze %dma_wait3A_63 : memref<1x632x128xf32, #tpu.memory_space<hbm>> -> memref<632x128xf32, #tpu.memory_space<hbm>>
      %dma_wait3A_65 = arith.constant 0 : i32
      %dma_wait3A_66 = tpu.memref_slice %arg13[%mul3A_2, %dma_wait3A_65] : memref<10112x128xf32, #tpu.memory_space<vmem_shared>> -> memref<632x128xf32, #tpu.memory_space<vmem_shared>>
      tpu.wait_dma2 semaphore(%run_scoped3A : memref<!tpu.dma_semaphore, #tpu.memory_space<semaphore_mem>>) src(%dma_wait3A_66 : memref<632x128xf32, #tpu.memory_space<vmem_shared>>) dst(%dma_wait3A_64 : memref<632x128xf32, #tpu.memory_space<hbm>>)
      tpu.yield
    }) : () -> ()
    return
  }
}

#map = affine_map<(d0, d1) -> (0, 0)>
#map1 = affine_map<(d0, d1) -> (0, 0, 0)>
module attributes {stable_mosaic.version = 14 : i64} {
  func.func @_agg_body(%arg0: i32, %arg1: i32, %arg2: memref<10000x32xf32, #tpu.memory_space<hbm>>, %arg3: memref<2560x128xi32, #tpu.memory_space<hbm>>, %arg4: memref<2560x128xi32, #tpu.memory_space<hbm>>, %arg5: memref<632x32xf32, #tpu.memory_space<hbm>>, %arg6: memref<2x10112x32xf32, #tpu.memory_space<hbm>>, %arg7: memref<40x128xi32, #tpu.memory_space<vmem>>, %arg8: memref<40x128xi32, #tpu.memory_space<vmem>>, %arg9: memref<128x32xf32, #tpu.memory_space<vmem>>, %arg10: memref<128x32xf32, #tpu.memory_space<vmem>>, %arg11: memref<!tpu.dma_semaphore, #tpu.memory_space<semaphore_mem>>, %arg12: memref<!tpu.dma_semaphore, #tpu.memory_space<semaphore_mem>>, %arg13: memref<10112x32xf32, #tpu.memory_space<vmem_shared>>) attributes {dimension_semantics = [#tpu.dimension_semantics<core_parallel>, #tpu.dimension_semantics<subcore_parallel>], iteration_bounds = array<i64: 2, 16>, scalar_prefetch = 0 : i64, scratch_operands = 7 : i64, tpu.core_type = #tpu.core_type<sc_vector_subcore>, window_params = [{transform_indices = #map}, {transform_indices = #map}, {transform_indices = #map}, {transform_indices = #map}, {transform_indices = #map1}]} {
    %mul3A = arith.constant 16 : i32
    %mul3A_0 = arith.muli %arg0, %mul3A : i32
    %add3A = arith.addi %mul3A_0, %arg1 : i32
    %mul3A_1 = arith.constant 632 : i32
    %mul3A_2 = arith.muli %arg1, %mul3A_1 : i32
    "tpu.region"() ({
      %run_scoped3A = tpu.sem_alloc : memref<!tpu.dma_semaphore, #tpu.memory_space<semaphore_mem>>
      %dma_start3A_58 = arith.constant 0 : i32
      %dma_start3A_59 = tpu.memref_slice %arg13[%mul3A_2, %dma_start3A_58] : memref<10112x32xf32, #tpu.memory_space<vmem_shared>> -> memref<632x32xf32, #tpu.memory_space<vmem_shared>>
      tpu.enqueue_dma source(%arg5 : memref<632x32xf32, #tpu.memory_space<hbm>>) target(%dma_start3A_59 : memref<632x32xf32, #tpu.memory_space<vmem_shared>>) target_semaphore(%run_scoped3A : memref<!tpu.dma_semaphore, #tpu.memory_space<semaphore_mem>>)
      %dma_wait3A = arith.constant 0 : i32
      %dma_wait3A_60 = tpu.memref_slice %arg13[%mul3A_2, %dma_wait3A] : memref<10112x32xf32, #tpu.memory_space<vmem_shared>> -> memref<632x32xf32, #tpu.memory_space<vmem_shared>>
      tpu.wait_dma2 semaphore(%run_scoped3A : memref<!tpu.dma_semaphore, #tpu.memory_space<semaphore_mem>>) src(%arg5 : memref<632x32xf32, #tpu.memory_space<hbm>>) dst(%dma_wait3A_60 : memref<632x32xf32, #tpu.memory_space<vmem_shared>>)
      tpu.yield
    }) : () -> ()
    %barrier3A = arith.constant 0 : index
    tpu.barrier barrier_id(%barrier3A)
    %mul3A_3 = arith.constant 80 : i32
    %mul3A_4 = arith.muli %add3A, %mul3A_3 : i32
    %add3A_5 = arith.constant 0 : i32
    %add3A_6 = arith.addi %mul3A_4, %add3A_5 : i32
    "tpu.region"() ({
      %run_scoped3A = tpu.sem_alloc : memref<!tpu.dma_semaphore, #tpu.memory_space<semaphore_mem>>
      %dma_start3A_58 = arith.constant 0 : i32
      %dma_start3A_59 = tpu.memref_slice %arg3[%add3A_6, %dma_start3A_58] : memref<2560x128xi32, #tpu.memory_space<hbm>> -> memref<40x128xi32, #tpu.memory_space<hbm>>
      %dma_start3A_60 = arith.constant 0 : i32
      %dma_start3A_61 = tpu.memref_slice %arg3[%add3A_6, %dma_start3A_60] : memref<2560x128xi32, #tpu.memory_space<hbm>> -> memref<40x128xi32, #tpu.memory_space<hbm>>
      tpu.enqueue_dma source(%dma_start3A_61 : memref<40x128xi32, #tpu.memory_space<hbm>>) target(%arg7 : memref<40x128xi32, #tpu.memory_space<vmem>>) target_semaphore(%run_scoped3A : memref<!tpu.dma_semaphore, #tpu.memory_space<semaphore_mem>>)
      %dma_wait3A = arith.constant 0 : i32
      %dma_wait3A_62 = tpu.memref_slice %arg3[%add3A_6, %dma_wait3A] : memref<2560x128xi32, #tpu.memory_space<hbm>> -> memref<40x128xi32, #tpu.memory_space<hbm>>
      %dma_wait3A_63 = arith.constant 0 : i32
      %dma_wait3A_64 = tpu.memref_slice %arg3[%add3A_6, %dma_wait3A_63] : memref<2560x128xi32, #tpu.memory_space<hbm>> -> memref<40x128xi32, #tpu.memory_space<hbm>>
      tpu.wait_dma2 semaphore(%run_scoped3A : memref<!tpu.dma_semaphore, #tpu.memory_space<semaphore_mem>>) src(%dma_wait3A_64 : memref<40x128xi32, #tpu.memory_space<hbm>>) dst(%arg7 : memref<40x128xi32, #tpu.memory_space<vmem>>)
      tpu.yield
    }) : () -> ()
    %mul3A_7 = arith.constant 80 : i32
    %mul3A_8 = arith.muli %add3A, %mul3A_7 : i32
    %add3A_9 = arith.constant 0 : i32
    %add3A_10 = arith.addi %mul3A_8, %add3A_9 : i32
    "tpu.region"() ({
      %run_scoped3A = tpu.sem_alloc : memref<!tpu.dma_semaphore, #tpu.memory_space<semaphore_mem>>
      %dma_start3A_58 = arith.constant 0 : i32
      %dma_start3A_59 = tpu.memref_slice %arg4[%add3A_10, %dma_start3A_58] : memref<2560x128xi32, #tpu.memory_space<hbm>> -> memref<40x128xi32, #tpu.memory_space<hbm>>
      %dma_start3A_60 = arith.constant 0 : i32
      %dma_start3A_61 = tpu.memref_slice %arg4[%add3A_10, %dma_start3A_60] : memref<2560x128xi32, #tpu.memory_space<hbm>> -> memref<40x128xi32, #tpu.memory_space<hbm>>
      tpu.enqueue_dma source(%dma_start3A_61 : memref<40x128xi32, #tpu.memory_space<hbm>>) target(%arg8 : memref<40x128xi32, #tpu.memory_space<vmem>>) target_semaphore(%run_scoped3A : memref<!tpu.dma_semaphore, #tpu.memory_space<semaphore_mem>>)
      %dma_wait3A = arith.constant 0 : i32
      %dma_wait3A_62 = tpu.memref_slice %arg4[%add3A_10, %dma_wait3A] : memref<2560x128xi32, #tpu.memory_space<hbm>> -> memref<40x128xi32, #tpu.memory_space<hbm>>
      %dma_wait3A_63 = arith.constant 0 : i32
      %dma_wait3A_64 = tpu.memref_slice %arg4[%add3A_10, %dma_wait3A_63] : memref<2560x128xi32, #tpu.memory_space<hbm>> -> memref<40x128xi32, #tpu.memory_space<hbm>>
      tpu.wait_dma2 semaphore(%run_scoped3A : memref<!tpu.dma_semaphore, #tpu.memory_space<semaphore_mem>>) src(%dma_wait3A_64 : memref<40x128xi32, #tpu.memory_space<hbm>>) dst(%arg8 : memref<40x128xi32, #tpu.memory_space<vmem>>)
      tpu.yield
    }) : () -> ()
    %dma_start3A = arith.constant 0 : i32
    %dma_start3A_11 = arith.constant 0 : i32
    %dma_start3A_12 = tpu.memref_slice %arg7[%dma_start3A, %dma_start3A_11] : memref<40x128xi32, #tpu.memory_space<vmem>> -> memref<1x128xi32, #tpu.memory_space<vmem>>
    %dma_start3A_13 = tpu.memref_squeeze %dma_start3A_12 : memref<1x128xi32, #tpu.memory_space<vmem>> -> memref<128xi32, #tpu.memory_space<vmem>>
    %dma_start3A_14 = arith.constant 0 : i32
    %dma_start3A_15 = arith.constant 0 : i32
    %dma_start3A_16 = tpu.memref_slice %arg2[%dma_start3A_14, %dma_start3A_15] : memref<10000x32xf32, #tpu.memory_space<hbm>> -> memref<10000x32xf32, #tpu.memory_space<hbm>>
    tpu.enqueue_indirect_dma source(%dma_start3A_16 : memref<10000x32xf32, #tpu.memory_space<hbm>>) target(%arg9 : memref<128x32xf32, #tpu.memory_space<vmem>>) offsets(%dma_start3A_13 : memref<128xi32, #tpu.memory_space<vmem>>) semaphore(%arg11 : memref<!tpu.dma_semaphore, #tpu.memory_space<semaphore_mem>>)
    %dma_start3A_17 = arith.constant 1 : i32
    %dma_start3A_18 = arith.constant 0 : i32
    %dma_start3A_19 = tpu.memref_slice %arg7[%dma_start3A_17, %dma_start3A_18] : memref<40x128xi32, #tpu.memory_space<vmem>> -> memref<1x128xi32, #tpu.memory_space<vmem>>
    %dma_start3A_20 = tpu.memref_squeeze %dma_start3A_19 : memref<1x128xi32, #tpu.memory_space<vmem>> -> memref<128xi32, #tpu.memory_space<vmem>>
    %dma_start3A_21 = arith.constant 0 : i32
    %dma_start3A_22 = arith.constant 0 : i32
    %dma_start3A_23 = tpu.memref_slice %arg2[%dma_start3A_21, %dma_start3A_22] : memref<10000x32xf32, #tpu.memory_space<hbm>> -> memref<10000x32xf32, #tpu.memory_space<hbm>>
    tpu.enqueue_indirect_dma source(%dma_start3A_23 : memref<10000x32xf32, #tpu.memory_space<hbm>>) target(%arg10 : memref<128x32xf32, #tpu.memory_space<vmem>>) offsets(%dma_start3A_20 : memref<128xi32, #tpu.memory_space<vmem>>) semaphore(%arg12 : memref<!tpu.dma_semaphore, #tpu.memory_space<semaphore_mem>>)
    %scan3A = arith.constant 0 : i32
    %scan3A_24 = arith.constant 0 : i32
    %scan3A_25 = arith.constant 20 : i32
    %scan3A_26 = arith.addi %scan3A_24, %scan3A_25 : i32
    %scan3A_27 = arith.constant 1 : i32
    scf.for %scan3A_58 = %scan3A_24 to %scan3A_26 step %scan3A_27  : i32 {
      %mul3A_59 = arith.constant 2 : i32
      %mul3A_60 = arith.muli %scan3A_58, %mul3A_59 : i32
      %add3A_61 = arith.constant 0 : i32
      %add3A_62 = arith.addi %mul3A_60, %add3A_61 : i32
      %dma_wait3A = arith.constant 0 : i32
      %dma_wait3A_63 = tpu.memref_slice %arg7[%add3A_62, %dma_wait3A] : memref<40x128xi32, #tpu.memory_space<vmem>> -> memref<1x128xi32, #tpu.memory_space<vmem>>
      %dma_wait3A_64 = tpu.memref_squeeze %dma_wait3A_63 : memref<1x128xi32, #tpu.memory_space<vmem>> -> memref<128xi32, #tpu.memory_space<vmem>>
      %dma_wait3A_65 = arith.constant 0 : i32
      %dma_wait3A_66 = arith.constant 0 : i32
      %dma_wait3A_67 = tpu.memref_slice %arg2[%dma_wait3A_65, %dma_wait3A_66] : memref<10000x32xf32, #tpu.memory_space<hbm>> -> memref<10000x32xf32, #tpu.memory_space<hbm>>
      tpu.wait_indirect_dma semaphore(%arg11 : memref<!tpu.dma_semaphore, #tpu.memory_space<semaphore_mem>>) src(%dma_wait3A_67 : memref<10000x32xf32, #tpu.memory_space<hbm>>) dst(%arg9 : memref<128x32xf32, #tpu.memory_space<vmem>>)
      "tpu.region"() ({
        %run_scoped3A = tpu.sem_alloc : memref<!tpu.dma_semaphore, #tpu.memory_space<semaphore_mem>>
        %dma_start3A_89 = arith.constant 0 : i32
        %dma_start3A_90 = tpu.memref_slice %arg8[%add3A_62, %dma_start3A_89] : memref<40x128xi32, #tpu.memory_space<vmem>> -> memref<1x128xi32, #tpu.memory_space<vmem>>
        %dma_start3A_91 = tpu.memref_squeeze %dma_start3A_90 : memref<1x128xi32, #tpu.memory_space<vmem>> -> memref<128xi32, #tpu.memory_space<vmem>>
        %dma_start3A_92 = arith.constant 0 : i32
        %dma_start3A_93 = arith.constant 0 : i32
        %dma_start3A_94 = tpu.memref_slice %arg13[%dma_start3A_92, %dma_start3A_93] : memref<10112x32xf32, #tpu.memory_space<vmem_shared>> -> memref<10112x32xf32, #tpu.memory_space<vmem_shared>>
        tpu.enqueue_indirect_dma source(%arg9 : memref<128x32xf32, #tpu.memory_space<vmem>>) target(%dma_start3A_94 : memref<10112x32xf32, #tpu.memory_space<vmem_shared>>) offsets(%dma_start3A_91 : memref<128xi32, #tpu.memory_space<vmem>>) semaphore(%run_scoped3A : memref<!tpu.dma_semaphore, #tpu.memory_space<semaphore_mem>>) {add = true}
        %dma_wait3A_95 = arith.constant 0 : i32
        %dma_wait3A_96 = tpu.memref_slice %arg8[%add3A_62, %dma_wait3A_95] : memref<40x128xi32, #tpu.memory_space<vmem>> -> memref<1x128xi32, #tpu.memory_space<vmem>>
        %dma_wait3A_97 = tpu.memref_squeeze %dma_wait3A_96 : memref<1x128xi32, #tpu.memory_space<vmem>> -> memref<128xi32, #tpu.memory_space<vmem>>
        %dma_wait3A_98 = arith.constant 0 : i32
        %dma_wait3A_99 = arith.constant 0 : i32
        %dma_wait3A_100 = tpu.memref_slice %arg13[%dma_wait3A_98, %dma_wait3A_99] : memref<10112x32xf32, #tpu.memory_space<vmem_shared>> -> memref<10112x32xf32, #tpu.memory_space<vmem_shared>>
        tpu.wait_indirect_dma semaphore(%run_scoped3A : memref<!tpu.dma_semaphore, #tpu.memory_space<semaphore_mem>>) src(%arg9 : memref<128x32xf32, #tpu.memory_space<vmem>>) dst(%dma_wait3A_100 : memref<10112x32xf32, #tpu.memory_space<vmem_shared>>)
        tpu.yield
      }) : () -> ()
      %add3A_68 = arith.constant 2 : i32
      %add3A_69 = arith.addi %add3A_62, %add3A_68 : i32
      %lt3A = arith.constant 40 : i32
      %lt3A_70 = arith.cmpi slt, %add3A_69, %lt3A : i32
      %convert_element_type3A = arith.extui %lt3A_70 : i1 to i32
      %cond3A = arith.constant 0 : i32
      %cond3A_71 = arith.cmpi ne, %convert_element_type3A, %cond3A : i32
      scf.if %cond3A_71 {
        %dma_start3A_89 = arith.constant 0 : i32
        %dma_start3A_90 = tpu.memref_slice %arg7[%add3A_69, %dma_start3A_89] : memref<40x128xi32, #tpu.memory_space<vmem>> -> memref<1x128xi32, #tpu.memory_space<vmem>>
        %dma_start3A_91 = tpu.memref_squeeze %dma_start3A_90 : memref<1x128xi32, #tpu.memory_space<vmem>> -> memref<128xi32, #tpu.memory_space<vmem>>
        %dma_start3A_92 = arith.constant 0 : i32
        %dma_start3A_93 = arith.constant 0 : i32
        %dma_start3A_94 = tpu.memref_slice %arg2[%dma_start3A_92, %dma_start3A_93] : memref<10000x32xf32, #tpu.memory_space<hbm>> -> memref<10000x32xf32, #tpu.memory_space<hbm>>
        tpu.enqueue_indirect_dma source(%dma_start3A_94 : memref<10000x32xf32, #tpu.memory_space<hbm>>) target(%arg9 : memref<128x32xf32, #tpu.memory_space<vmem>>) offsets(%dma_start3A_91 : memref<128xi32, #tpu.memory_space<vmem>>) semaphore(%arg11 : memref<!tpu.dma_semaphore, #tpu.memory_space<semaphore_mem>>)
      } else {
      }
      %mul3A_72 = arith.constant 2 : i32
      %mul3A_73 = arith.muli %scan3A_58, %mul3A_72 : i32
      %add3A_74 = arith.constant 1 : i32
      %add3A_75 = arith.addi %mul3A_73, %add3A_74 : i32
      %dma_wait3A_76 = arith.constant 0 : i32
      %dma_wait3A_77 = tpu.memref_slice %arg7[%add3A_75, %dma_wait3A_76] : memref<40x128xi32, #tpu.memory_space<vmem>> -> memref<1x128xi32, #tpu.memory_space<vmem>>
      %dma_wait3A_78 = tpu.memref_squeeze %dma_wait3A_77 : memref<1x128xi32, #tpu.memory_space<vmem>> -> memref<128xi32, #tpu.memory_space<vmem>>
      %dma_wait3A_79 = arith.constant 0 : i32
      %dma_wait3A_80 = arith.constant 0 : i32
      %dma_wait3A_81 = tpu.memref_slice %arg2[%dma_wait3A_79, %dma_wait3A_80] : memref<10000x32xf32, #tpu.memory_space<hbm>> -> memref<10000x32xf32, #tpu.memory_space<hbm>>
      tpu.wait_indirect_dma semaphore(%arg12 : memref<!tpu.dma_semaphore, #tpu.memory_space<semaphore_mem>>) src(%dma_wait3A_81 : memref<10000x32xf32, #tpu.memory_space<hbm>>) dst(%arg10 : memref<128x32xf32, #tpu.memory_space<vmem>>)
      "tpu.region"() ({
        %run_scoped3A = tpu.sem_alloc : memref<!tpu.dma_semaphore, #tpu.memory_space<semaphore_mem>>
        %dma_start3A_89 = arith.constant 0 : i32
        %dma_start3A_90 = tpu.memref_slice %arg8[%add3A_75, %dma_start3A_89] : memref<40x128xi32, #tpu.memory_space<vmem>> -> memref<1x128xi32, #tpu.memory_space<vmem>>
        %dma_start3A_91 = tpu.memref_squeeze %dma_start3A_90 : memref<1x128xi32, #tpu.memory_space<vmem>> -> memref<128xi32, #tpu.memory_space<vmem>>
        %dma_start3A_92 = arith.constant 0 : i32
        %dma_start3A_93 = arith.constant 0 : i32
        %dma_start3A_94 = tpu.memref_slice %arg13[%dma_start3A_92, %dma_start3A_93] : memref<10112x32xf32, #tpu.memory_space<vmem_shared>> -> memref<10112x32xf32, #tpu.memory_space<vmem_shared>>
        tpu.enqueue_indirect_dma source(%arg10 : memref<128x32xf32, #tpu.memory_space<vmem>>) target(%dma_start3A_94 : memref<10112x32xf32, #tpu.memory_space<vmem_shared>>) offsets(%dma_start3A_91 : memref<128xi32, #tpu.memory_space<vmem>>) semaphore(%run_scoped3A : memref<!tpu.dma_semaphore, #tpu.memory_space<semaphore_mem>>) {add = true}
        %dma_wait3A_95 = arith.constant 0 : i32
        %dma_wait3A_96 = tpu.memref_slice %arg8[%add3A_75, %dma_wait3A_95] : memref<40x128xi32, #tpu.memory_space<vmem>> -> memref<1x128xi32, #tpu.memory_space<vmem>>
        %dma_wait3A_97 = tpu.memref_squeeze %dma_wait3A_96 : memref<1x128xi32, #tpu.memory_space<vmem>> -> memref<128xi32, #tpu.memory_space<vmem>>
        %dma_wait3A_98 = arith.constant 0 : i32
        %dma_wait3A_99 = arith.constant 0 : i32
        %dma_wait3A_100 = tpu.memref_slice %arg13[%dma_wait3A_98, %dma_wait3A_99] : memref<10112x32xf32, #tpu.memory_space<vmem_shared>> -> memref<10112x32xf32, #tpu.memory_space<vmem_shared>>
        tpu.wait_indirect_dma semaphore(%run_scoped3A : memref<!tpu.dma_semaphore, #tpu.memory_space<semaphore_mem>>) src(%arg10 : memref<128x32xf32, #tpu.memory_space<vmem>>) dst(%dma_wait3A_100 : memref<10112x32xf32, #tpu.memory_space<vmem_shared>>)
        tpu.yield
      }) : () -> ()
      %add3A_82 = arith.constant 2 : i32
      %add3A_83 = arith.addi %add3A_75, %add3A_82 : i32
      %lt3A_84 = arith.constant 40 : i32
      %lt3A_85 = arith.cmpi slt, %add3A_83, %lt3A_84 : i32
      %convert_element_type3A_86 = arith.extui %lt3A_85 : i1 to i32
      %cond3A_87 = arith.constant 0 : i32
      %cond3A_88 = arith.cmpi ne, %convert_element_type3A_86, %cond3A_87 : i32
      scf.if %cond3A_88 {
        %dma_start3A_89 = arith.constant 0 : i32
        %dma_start3A_90 = tpu.memref_slice %arg7[%add3A_83, %dma_start3A_89] : memref<40x128xi32, #tpu.memory_space<vmem>> -> memref<1x128xi32, #tpu.memory_space<vmem>>
        %dma_start3A_91 = tpu.memref_squeeze %dma_start3A_90 : memref<1x128xi32, #tpu.memory_space<vmem>> -> memref<128xi32, #tpu.memory_space<vmem>>
        %dma_start3A_92 = arith.constant 0 : i32
        %dma_start3A_93 = arith.constant 0 : i32
        %dma_start3A_94 = tpu.memref_slice %arg2[%dma_start3A_92, %dma_start3A_93] : memref<10000x32xf32, #tpu.memory_space<hbm>> -> memref<10000x32xf32, #tpu.memory_space<hbm>>
        tpu.enqueue_indirect_dma source(%dma_start3A_94 : memref<10000x32xf32, #tpu.memory_space<hbm>>) target(%arg10 : memref<128x32xf32, #tpu.memory_space<vmem>>) offsets(%dma_start3A_91 : memref<128xi32, #tpu.memory_space<vmem>>) semaphore(%arg12 : memref<!tpu.dma_semaphore, #tpu.memory_space<semaphore_mem>>)
      } else {
      }
    }
    %scan3A_28 = arith.constant 20 : i32
    %mul3A_29 = arith.constant 80 : i32
    %mul3A_30 = arith.muli %add3A, %mul3A_29 : i32
    %add3A_31 = arith.constant 40 : i32
    %add3A_32 = arith.addi %mul3A_30, %add3A_31 : i32
    "tpu.region"() ({
      %run_scoped3A = tpu.sem_alloc : memref<!tpu.dma_semaphore, #tpu.memory_space<semaphore_mem>>
      %dma_start3A_58 = arith.constant 0 : i32
      %dma_start3A_59 = tpu.memref_slice %arg3[%add3A_32, %dma_start3A_58] : memref<2560x128xi32, #tpu.memory_space<hbm>> -> memref<40x128xi32, #tpu.memory_space<hbm>>
      %dma_start3A_60 = arith.constant 0 : i32
      %dma_start3A_61 = tpu.memref_slice %arg3[%add3A_32, %dma_start3A_60] : memref<2560x128xi32, #tpu.memory_space<hbm>> -> memref<40x128xi32, #tpu.memory_space<hbm>>
      tpu.enqueue_dma source(%dma_start3A_61 : memref<40x128xi32, #tpu.memory_space<hbm>>) target(%arg7 : memref<40x128xi32, #tpu.memory_space<vmem>>) target_semaphore(%run_scoped3A : memref<!tpu.dma_semaphore, #tpu.memory_space<semaphore_mem>>)
      %dma_wait3A = arith.constant 0 : i32
      %dma_wait3A_62 = tpu.memref_slice %arg3[%add3A_32, %dma_wait3A] : memref<2560x128xi32, #tpu.memory_space<hbm>> -> memref<40x128xi32, #tpu.memory_space<hbm>>
      %dma_wait3A_63 = arith.constant 0 : i32
      %dma_wait3A_64 = tpu.memref_slice %arg3[%add3A_32, %dma_wait3A_63] : memref<2560x128xi32, #tpu.memory_space<hbm>> -> memref<40x128xi32, #tpu.memory_space<hbm>>
      tpu.wait_dma2 semaphore(%run_scoped3A : memref<!tpu.dma_semaphore, #tpu.memory_space<semaphore_mem>>) src(%dma_wait3A_64 : memref<40x128xi32, #tpu.memory_space<hbm>>) dst(%arg7 : memref<40x128xi32, #tpu.memory_space<vmem>>)
      tpu.yield
    }) : () -> ()
    %mul3A_33 = arith.constant 80 : i32
    %mul3A_34 = arith.muli %add3A, %mul3A_33 : i32
    %add3A_35 = arith.constant 40 : i32
    %add3A_36 = arith.addi %mul3A_34, %add3A_35 : i32
    "tpu.region"() ({
      %run_scoped3A = tpu.sem_alloc : memref<!tpu.dma_semaphore, #tpu.memory_space<semaphore_mem>>
      %dma_start3A_58 = arith.constant 0 : i32
      %dma_start3A_59 = tpu.memref_slice %arg4[%add3A_36, %dma_start3A_58] : memref<2560x128xi32, #tpu.memory_space<hbm>> -> memref<40x128xi32, #tpu.memory_space<hbm>>
      %dma_start3A_60 = arith.constant 0 : i32
      %dma_start3A_61 = tpu.memref_slice %arg4[%add3A_36, %dma_start3A_60] : memref<2560x128xi32, #tpu.memory_space<hbm>> -> memref<40x128xi32, #tpu.memory_space<hbm>>
      tpu.enqueue_dma source(%dma_start3A_61 : memref<40x128xi32, #tpu.memory_space<hbm>>) target(%arg8 : memref<40x128xi32, #tpu.memory_space<vmem>>) target_semaphore(%run_scoped3A : memref<!tpu.dma_semaphore, #tpu.memory_space<semaphore_mem>>)
      %dma_wait3A = arith.constant 0 : i32
      %dma_wait3A_62 = tpu.memref_slice %arg4[%add3A_36, %dma_wait3A] : memref<2560x128xi32, #tpu.memory_space<hbm>> -> memref<40x128xi32, #tpu.memory_space<hbm>>
      %dma_wait3A_63 = arith.constant 0 : i32
      %dma_wait3A_64 = tpu.memref_slice %arg4[%add3A_36, %dma_wait3A_63] : memref<2560x128xi32, #tpu.memory_space<hbm>> -> memref<40x128xi32, #tpu.memory_space<hbm>>
      tpu.wait_dma2 semaphore(%run_scoped3A : memref<!tpu.dma_semaphore, #tpu.memory_space<semaphore_mem>>) src(%dma_wait3A_64 : memref<40x128xi32, #tpu.memory_space<hbm>>) dst(%arg8 : memref<40x128xi32, #tpu.memory_space<vmem>>)
      tpu.yield
    }) : () -> ()
    %dma_start3A_37 = arith.constant 0 : i32
    %dma_start3A_38 = arith.constant 0 : i32
    %dma_start3A_39 = tpu.memref_slice %arg7[%dma_start3A_37, %dma_start3A_38] : memref<40x128xi32, #tpu.memory_space<vmem>> -> memref<1x128xi32, #tpu.memory_space<vmem>>
    %dma_start3A_40 = tpu.memref_squeeze %dma_start3A_39 : memref<1x128xi32, #tpu.memory_space<vmem>> -> memref<128xi32, #tpu.memory_space<vmem>>
    %dma_start3A_41 = arith.constant 0 : i32
    %dma_start3A_42 = arith.constant 0 : i32
    %dma_start3A_43 = tpu.memref_slice %arg2[%dma_start3A_41, %dma_start3A_42] : memref<10000x32xf32, #tpu.memory_space<hbm>> -> memref<10000x32xf32, #tpu.memory_space<hbm>>
    tpu.enqueue_indirect_dma source(%dma_start3A_43 : memref<10000x32xf32, #tpu.memory_space<hbm>>) target(%arg9 : memref<128x32xf32, #tpu.memory_space<vmem>>) offsets(%dma_start3A_40 : memref<128xi32, #tpu.memory_space<vmem>>) semaphore(%arg11 : memref<!tpu.dma_semaphore, #tpu.memory_space<semaphore_mem>>)
    %dma_start3A_44 = arith.constant 1 : i32
    %dma_start3A_45 = arith.constant 0 : i32
    %dma_start3A_46 = tpu.memref_slice %arg7[%dma_start3A_44, %dma_start3A_45] : memref<40x128xi32, #tpu.memory_space<vmem>> -> memref<1x128xi32, #tpu.memory_space<vmem>>
    %dma_start3A_47 = tpu.memref_squeeze %dma_start3A_46 : memref<1x128xi32, #tpu.memory_space<vmem>> -> memref<128xi32, #tpu.memory_space<vmem>>
    %dma_start3A_48 = arith.constant 0 : i32
    %dma_start3A_49 = arith.constant 0 : i32
    %dma_start3A_50 = tpu.memref_slice %arg2[%dma_start3A_48, %dma_start3A_49] : memref<10000x32xf32, #tpu.memory_space<hbm>> -> memref<10000x32xf32, #tpu.memory_space<hbm>>
    tpu.enqueue_indirect_dma source(%dma_start3A_50 : memref<10000x32xf32, #tpu.memory_space<hbm>>) target(%arg10 : memref<128x32xf32, #tpu.memory_space<vmem>>) offsets(%dma_start3A_47 : memref<128xi32, #tpu.memory_space<vmem>>) semaphore(%arg12 : memref<!tpu.dma_semaphore, #tpu.memory_space<semaphore_mem>>)
    %scan3A_51 = arith.constant 0 : i32
    %scan3A_52 = arith.constant 0 : i32
    %scan3A_53 = arith.constant 20 : i32
    %scan3A_54 = arith.addi %scan3A_52, %scan3A_53 : i32
    %scan3A_55 = arith.constant 1 : i32
    scf.for %scan3A_58 = %scan3A_52 to %scan3A_54 step %scan3A_55  : i32 {
      %mul3A_59 = arith.constant 2 : i32
      %mul3A_60 = arith.muli %scan3A_58, %mul3A_59 : i32
      %add3A_61 = arith.constant 0 : i32
      %add3A_62 = arith.addi %mul3A_60, %add3A_61 : i32
      %dma_wait3A = arith.constant 0 : i32
      %dma_wait3A_63 = tpu.memref_slice %arg7[%add3A_62, %dma_wait3A] : memref<40x128xi32, #tpu.memory_space<vmem>> -> memref<1x128xi32, #tpu.memory_space<vmem>>
      %dma_wait3A_64 = tpu.memref_squeeze %dma_wait3A_63 : memref<1x128xi32, #tpu.memory_space<vmem>> -> memref<128xi32, #tpu.memory_space<vmem>>
      %dma_wait3A_65 = arith.constant 0 : i32
      %dma_wait3A_66 = arith.constant 0 : i32
      %dma_wait3A_67 = tpu.memref_slice %arg2[%dma_wait3A_65, %dma_wait3A_66] : memref<10000x32xf32, #tpu.memory_space<hbm>> -> memref<10000x32xf32, #tpu.memory_space<hbm>>
      tpu.wait_indirect_dma semaphore(%arg11 : memref<!tpu.dma_semaphore, #tpu.memory_space<semaphore_mem>>) src(%dma_wait3A_67 : memref<10000x32xf32, #tpu.memory_space<hbm>>) dst(%arg9 : memref<128x32xf32, #tpu.memory_space<vmem>>)
      "tpu.region"() ({
        %run_scoped3A = tpu.sem_alloc : memref<!tpu.dma_semaphore, #tpu.memory_space<semaphore_mem>>
        %dma_start3A_89 = arith.constant 0 : i32
        %dma_start3A_90 = tpu.memref_slice %arg8[%add3A_62, %dma_start3A_89] : memref<40x128xi32, #tpu.memory_space<vmem>> -> memref<1x128xi32, #tpu.memory_space<vmem>>
        %dma_start3A_91 = tpu.memref_squeeze %dma_start3A_90 : memref<1x128xi32, #tpu.memory_space<vmem>> -> memref<128xi32, #tpu.memory_space<vmem>>
        %dma_start3A_92 = arith.constant 0 : i32
        %dma_start3A_93 = arith.constant 0 : i32
        %dma_start3A_94 = tpu.memref_slice %arg13[%dma_start3A_92, %dma_start3A_93] : memref<10112x32xf32, #tpu.memory_space<vmem_shared>> -> memref<10112x32xf32, #tpu.memory_space<vmem_shared>>
        tpu.enqueue_indirect_dma source(%arg9 : memref<128x32xf32, #tpu.memory_space<vmem>>) target(%dma_start3A_94 : memref<10112x32xf32, #tpu.memory_space<vmem_shared>>) offsets(%dma_start3A_91 : memref<128xi32, #tpu.memory_space<vmem>>) semaphore(%run_scoped3A : memref<!tpu.dma_semaphore, #tpu.memory_space<semaphore_mem>>) {add = true}
        %dma_wait3A_95 = arith.constant 0 : i32
        %dma_wait3A_96 = tpu.memref_slice %arg8[%add3A_62, %dma_wait3A_95] : memref<40x128xi32, #tpu.memory_space<vmem>> -> memref<1x128xi32, #tpu.memory_space<vmem>>
        %dma_wait3A_97 = tpu.memref_squeeze %dma_wait3A_96 : memref<1x128xi32, #tpu.memory_space<vmem>> -> memref<128xi32, #tpu.memory_space<vmem>>
        %dma_wait3A_98 = arith.constant 0 : i32
        %dma_wait3A_99 = arith.constant 0 : i32
        %dma_wait3A_100 = tpu.memref_slice %arg13[%dma_wait3A_98, %dma_wait3A_99] : memref<10112x32xf32, #tpu.memory_space<vmem_shared>> -> memref<10112x32xf32, #tpu.memory_space<vmem_shared>>
        tpu.wait_indirect_dma semaphore(%run_scoped3A : memref<!tpu.dma_semaphore, #tpu.memory_space<semaphore_mem>>) src(%arg9 : memref<128x32xf32, #tpu.memory_space<vmem>>) dst(%dma_wait3A_100 : memref<10112x32xf32, #tpu.memory_space<vmem_shared>>)
        tpu.yield
      }) : () -> ()
      %add3A_68 = arith.constant 2 : i32
      %add3A_69 = arith.addi %add3A_62, %add3A_68 : i32
      %lt3A = arith.constant 40 : i32
      %lt3A_70 = arith.cmpi slt, %add3A_69, %lt3A : i32
      %convert_element_type3A = arith.extui %lt3A_70 : i1 to i32
      %cond3A = arith.constant 0 : i32
      %cond3A_71 = arith.cmpi ne, %convert_element_type3A, %cond3A : i32
      scf.if %cond3A_71 {
        %dma_start3A_89 = arith.constant 0 : i32
        %dma_start3A_90 = tpu.memref_slice %arg7[%add3A_69, %dma_start3A_89] : memref<40x128xi32, #tpu.memory_space<vmem>> -> memref<1x128xi32, #tpu.memory_space<vmem>>
        %dma_start3A_91 = tpu.memref_squeeze %dma_start3A_90 : memref<1x128xi32, #tpu.memory_space<vmem>> -> memref<128xi32, #tpu.memory_space<vmem>>
        %dma_start3A_92 = arith.constant 0 : i32
        %dma_start3A_93 = arith.constant 0 : i32
        %dma_start3A_94 = tpu.memref_slice %arg2[%dma_start3A_92, %dma_start3A_93] : memref<10000x32xf32, #tpu.memory_space<hbm>> -> memref<10000x32xf32, #tpu.memory_space<hbm>>
        tpu.enqueue_indirect_dma source(%dma_start3A_94 : memref<10000x32xf32, #tpu.memory_space<hbm>>) target(%arg9 : memref<128x32xf32, #tpu.memory_space<vmem>>) offsets(%dma_start3A_91 : memref<128xi32, #tpu.memory_space<vmem>>) semaphore(%arg11 : memref<!tpu.dma_semaphore, #tpu.memory_space<semaphore_mem>>)
      } else {
      }
      %mul3A_72 = arith.constant 2 : i32
      %mul3A_73 = arith.muli %scan3A_58, %mul3A_72 : i32
      %add3A_74 = arith.constant 1 : i32
      %add3A_75 = arith.addi %mul3A_73, %add3A_74 : i32
      %dma_wait3A_76 = arith.constant 0 : i32
      %dma_wait3A_77 = tpu.memref_slice %arg7[%add3A_75, %dma_wait3A_76] : memref<40x128xi32, #tpu.memory_space<vmem>> -> memref<1x128xi32, #tpu.memory_space<vmem>>
      %dma_wait3A_78 = tpu.memref_squeeze %dma_wait3A_77 : memref<1x128xi32, #tpu.memory_space<vmem>> -> memref<128xi32, #tpu.memory_space<vmem>>
      %dma_wait3A_79 = arith.constant 0 : i32
      %dma_wait3A_80 = arith.constant 0 : i32
      %dma_wait3A_81 = tpu.memref_slice %arg2[%dma_wait3A_79, %dma_wait3A_80] : memref<10000x32xf32, #tpu.memory_space<hbm>> -> memref<10000x32xf32, #tpu.memory_space<hbm>>
      tpu.wait_indirect_dma semaphore(%arg12 : memref<!tpu.dma_semaphore, #tpu.memory_space<semaphore_mem>>) src(%dma_wait3A_81 : memref<10000x32xf32, #tpu.memory_space<hbm>>) dst(%arg10 : memref<128x32xf32, #tpu.memory_space<vmem>>)
      "tpu.region"() ({
        %run_scoped3A = tpu.sem_alloc : memref<!tpu.dma_semaphore, #tpu.memory_space<semaphore_mem>>
        %dma_start3A_89 = arith.constant 0 : i32
        %dma_start3A_90 = tpu.memref_slice %arg8[%add3A_75, %dma_start3A_89] : memref<40x128xi32, #tpu.memory_space<vmem>> -> memref<1x128xi32, #tpu.memory_space<vmem>>
        %dma_start3A_91 = tpu.memref_squeeze %dma_start3A_90 : memref<1x128xi32, #tpu.memory_space<vmem>> -> memref<128xi32, #tpu.memory_space<vmem>>
        %dma_start3A_92 = arith.constant 0 : i32
        %dma_start3A_93 = arith.constant 0 : i32
        %dma_start3A_94 = tpu.memref_slice %arg13[%dma_start3A_92, %dma_start3A_93] : memref<10112x32xf32, #tpu.memory_space<vmem_shared>> -> memref<10112x32xf32, #tpu.memory_space<vmem_shared>>
        tpu.enqueue_indirect_dma source(%arg10 : memref<128x32xf32, #tpu.memory_space<vmem>>) target(%dma_start3A_94 : memref<10112x32xf32, #tpu.memory_space<vmem_shared>>) offsets(%dma_start3A_91 : memref<128xi32, #tpu.memory_space<vmem>>) semaphore(%run_scoped3A : memref<!tpu.dma_semaphore, #tpu.memory_space<semaphore_mem>>) {add = true}
        %dma_wait3A_95 = arith.constant 0 : i32
        %dma_wait3A_96 = tpu.memref_slice %arg8[%add3A_75, %dma_wait3A_95] : memref<40x128xi32, #tpu.memory_space<vmem>> -> memref<1x128xi32, #tpu.memory_space<vmem>>
        %dma_wait3A_97 = tpu.memref_squeeze %dma_wait3A_96 : memref<1x128xi32, #tpu.memory_space<vmem>> -> memref<128xi32, #tpu.memory_space<vmem>>
        %dma_wait3A_98 = arith.constant 0 : i32
        %dma_wait3A_99 = arith.constant 0 : i32
        %dma_wait3A_100 = tpu.memref_slice %arg13[%dma_wait3A_98, %dma_wait3A_99] : memref<10112x32xf32, #tpu.memory_space<vmem_shared>> -> memref<10112x32xf32, #tpu.memory_space<vmem_shared>>
        tpu.wait_indirect_dma semaphore(%run_scoped3A : memref<!tpu.dma_semaphore, #tpu.memory_space<semaphore_mem>>) src(%arg10 : memref<128x32xf32, #tpu.memory_space<vmem>>) dst(%dma_wait3A_100 : memref<10112x32xf32, #tpu.memory_space<vmem_shared>>)
        tpu.yield
      }) : () -> ()
      %add3A_82 = arith.constant 2 : i32
      %add3A_83 = arith.addi %add3A_75, %add3A_82 : i32
      %lt3A_84 = arith.constant 40 : i32
      %lt3A_85 = arith.cmpi slt, %add3A_83, %lt3A_84 : i32
      %convert_element_type3A_86 = arith.extui %lt3A_85 : i1 to i32
      %cond3A_87 = arith.constant 0 : i32
      %cond3A_88 = arith.cmpi ne, %convert_element_type3A_86, %cond3A_87 : i32
      scf.if %cond3A_88 {
        %dma_start3A_89 = arith.constant 0 : i32
        %dma_start3A_90 = tpu.memref_slice %arg7[%add3A_83, %dma_start3A_89] : memref<40x128xi32, #tpu.memory_space<vmem>> -> memref<1x128xi32, #tpu.memory_space<vmem>>
        %dma_start3A_91 = tpu.memref_squeeze %dma_start3A_90 : memref<1x128xi32, #tpu.memory_space<vmem>> -> memref<128xi32, #tpu.memory_space<vmem>>
        %dma_start3A_92 = arith.constant 0 : i32
        %dma_start3A_93 = arith.constant 0 : i32
        %dma_start3A_94 = tpu.memref_slice %arg2[%dma_start3A_92, %dma_start3A_93] : memref<10000x32xf32, #tpu.memory_space<hbm>> -> memref<10000x32xf32, #tpu.memory_space<hbm>>
        tpu.enqueue_indirect_dma source(%dma_start3A_94 : memref<10000x32xf32, #tpu.memory_space<hbm>>) target(%arg10 : memref<128x32xf32, #tpu.memory_space<vmem>>) offsets(%dma_start3A_91 : memref<128xi32, #tpu.memory_space<vmem>>) semaphore(%arg12 : memref<!tpu.dma_semaphore, #tpu.memory_space<semaphore_mem>>)
      } else {
      }
    }
    %scan3A_56 = arith.constant 20 : i32
    %barrier3A_57 = arith.constant 0 : index
    tpu.barrier barrier_id(%barrier3A_57)
    "tpu.region"() ({
      %run_scoped3A = tpu.sem_alloc : memref<!tpu.dma_semaphore, #tpu.memory_space<semaphore_mem>>
      %dma_start3A_58 = arith.constant 0 : i32
      %dma_start3A_59 = tpu.memref_slice %arg6[%arg0, %mul3A_2, %dma_start3A_58] : memref<2x10112x32xf32, #tpu.memory_space<hbm>> -> memref<1x632x32xf32, #tpu.memory_space<hbm>>
      %dma_start3A_60 = tpu.memref_squeeze %dma_start3A_59 : memref<1x632x32xf32, #tpu.memory_space<hbm>> -> memref<632x32xf32, #tpu.memory_space<hbm>>
      %dma_start3A_61 = arith.constant 0 : i32
      %dma_start3A_62 = tpu.memref_slice %arg13[%mul3A_2, %dma_start3A_61] : memref<10112x32xf32, #tpu.memory_space<vmem_shared>> -> memref<632x32xf32, #tpu.memory_space<vmem_shared>>
      tpu.enqueue_dma source(%dma_start3A_62 : memref<632x32xf32, #tpu.memory_space<vmem_shared>>) target(%dma_start3A_60 : memref<632x32xf32, #tpu.memory_space<hbm>>) target_semaphore(%run_scoped3A : memref<!tpu.dma_semaphore, #tpu.memory_space<semaphore_mem>>)
      %dma_wait3A = arith.constant 0 : i32
      %dma_wait3A_63 = tpu.memref_slice %arg6[%arg0, %mul3A_2, %dma_wait3A] : memref<2x10112x32xf32, #tpu.memory_space<hbm>> -> memref<1x632x32xf32, #tpu.memory_space<hbm>>
      %dma_wait3A_64 = tpu.memref_squeeze %dma_wait3A_63 : memref<1x632x32xf32, #tpu.memory_space<hbm>> -> memref<632x32xf32, #tpu.memory_space<hbm>>
      %dma_wait3A_65 = arith.constant 0 : i32
      %dma_wait3A_66 = tpu.memref_slice %arg13[%mul3A_2, %dma_wait3A_65] : memref<10112x32xf32, #tpu.memory_space<vmem_shared>> -> memref<632x32xf32, #tpu.memory_space<vmem_shared>>
      tpu.wait_dma2 semaphore(%run_scoped3A : memref<!tpu.dma_semaphore, #tpu.memory_space<semaphore_mem>>) src(%dma_wait3A_66 : memref<632x32xf32, #tpu.memory_space<vmem_shared>>) dst(%dma_wait3A_64 : memref<632x32xf32, #tpu.memory_space<hbm>>)
      tpu.yield
    }) : () -> ()
    return
  }
}

module attributes {stable_mosaic.version = 14 : i64} {
  func.func @_prep_body(%arg0: i32, %arg1: memref<1000x128xf32, #tpu.memory_space<vmem>>, %arg2: memref<128x128xf32, #tpu.memory_space<vmem>>, %arg3: memref<128x128xf32, #tpu.memory_space<vmem>>, %arg4: memref<1x128xf32, #tpu.memory_space<vmem>>, %arg5: memref<1000x128xf32, #tpu.memory_space<vmem>>, %arg6: memref<1000x128xf32, #tpu.memory_space<vmem>>) attributes {dimension_semantics = [#tpu.dimension_semantics<arbitrary>], iteration_bounds = array<i64: 10>, scalar_prefetch = 0 : i64, scratch_operands = 0 : i64, tpu.core_type = #tpu.core_type<tc>, window_params = [{transform_indices = @transform_0, window_bounds = array<i64: 1000, 128>}, {pipeline_mode = #tpu.pipeline_mode<synchronous>, transform_indices = @transform_1, window_bounds = array<i64: 128, 128>}, {pipeline_mode = #tpu.pipeline_mode<synchronous>, transform_indices = @transform_2, window_bounds = array<i64: 128, 128>}, {pipeline_mode = #tpu.pipeline_mode<synchronous>, transform_indices = @transform_3, window_bounds = array<i64: 1, 128>}, {transform_indices = @transform_4, window_bounds = array<i64: 1000, 128>}, {transform_indices = @transform_5, window_bounds = array<i64: 1000, 128>}]} {
    %get3A = arith.constant 0 : index
    %get3A_0 = arith.constant 0 : index
    %get3A_1 = vector.load %arg1[%get3A, %get3A_0] : memref<1000x128xf32, #tpu.memory_space<vmem>>, vector<1000x128xf32>
    %get3A_2 = arith.constant 0 : index
    %get3A_3 = arith.constant 0 : index
    %get3A_4 = vector.load %arg2[%get3A_2, %get3A_3] : memref<128x128xf32, #tpu.memory_space<vmem>>, vector<128x128xf32>
    %dot_general3A = arith.constant dense<0.000000e+00> : vector<1000x128xf32>
    %dot_general3A_5 = tpu.matmul %get3A_1, %get3A_4, %dot_general3A {dimension_numbers = #tpu.dot_dimension_numbers<[1], [0], [0], [1], [0, 0, 1, 1], [], []>, transpose_lhs_hint = false} : vector<1000x128xf32>, vector<128x128xf32>, vector<1000x128xf32> -> vector<1000x128xf32>
    %swap3A = arith.constant 0 : index
    %swap3A_6 = arith.constant 0 : index
    %swap3A_7 = vector.load %arg5[%swap3A, %swap3A_6] : memref<1000x128xf32, #tpu.memory_space<vmem>>, vector<1000x128xf32>
    tpu.vector_store %arg5[%swap3A, %swap3A_6], %dot_general3A_5 {strides = array<i32>} : memref<1000x128xf32, #tpu.memory_space<vmem>>, vector<1000x128xf32>,
    %get3A_8 = arith.constant 0 : index
    %get3A_9 = arith.constant 0 : index
    %get3A_10 = vector.load %arg3[%get3A_8, %get3A_9] : memref<128x128xf32, #tpu.memory_space<vmem>>, vector<128x128xf32>
    %dot_general3A_11 = arith.constant dense<0.000000e+00> : vector<1000x128xf32>
    %dot_general3A_12 = tpu.matmul %get3A_1, %get3A_10, %dot_general3A_11 {dimension_numbers = #tpu.dot_dimension_numbers<[1], [0], [0], [1], [0, 0, 1, 1], [], []>, transpose_lhs_hint = false} : vector<1000x128xf32>, vector<128x128xf32>, vector<1000x128xf32> -> vector<1000x128xf32>
    %get3A_13 = arith.constant 0 : index
    %get3A_14 = arith.constant 0 : index
    %get3A_15 = vector.load %arg4[%get3A_13, %get3A_14] : memref<1x128xf32, #tpu.memory_space<vmem>>, vector<1x128xf32>
    %add3A = vector.broadcast %get3A_15 : vector<1x128xf32> to vector<1000x128xf32>
    %add3A_16 = arith.addf %dot_general3A_12, %add3A : vector<1000x128xf32>
    %swap3A_17 = arith.constant 0 : index
    %swap3A_18 = arith.constant 0 : index
    %swap3A_19 = vector.load %arg6[%swap3A_17, %swap3A_18] : memref<1000x128xf32, #tpu.memory_space<vmem>>, vector<1000x128xf32>
    tpu.vector_store %arg6[%swap3A_17, %swap3A_18], %add3A_16 {strides = array<i32>} : memref<1000x128xf32, #tpu.memory_space<vmem>>, vector<1000x128xf32>,
    return
  }
  func.func @transform_0(%arg0: i32) -> (i32, i32) {
    %c0_i32 = arith.constant 0 : i32
    %c0_i32_0 = arith.constant 0 : i32
    return %arg0, %c0_i32 : i32, i32
  }
  func.func @transform_1(%arg0: i32) -> (i32, i32) {
    %c0_i32 = arith.constant 0 : i32
    %c0_i32_0 = arith.constant 0 : i32
    %c0_i32_1 = arith.constant 0 : i32
    return %c0_i32, %c0_i32_0 : i32, i32
  }
  func.func @transform_2(%arg0: i32) -> (i32, i32) {
    %c0_i32 = arith.constant 0 : i32
    %c0_i32_0 = arith.constant 0 : i32
    %c0_i32_1 = arith.constant 0 : i32
    return %c0_i32, %c0_i32_0 : i32, i32
  }
  func.func @transform_3(%arg0: i32) -> (i32, i32) {
    %c0_i32 = arith.constant 0 : i32
    %c0_i32_0 = arith.constant 0 : i32
    %c0_i32_1 = arith.constant 0 : i32
    return %c0_i32, %c0_i32_0 : i32, i32
  }
  func.func @transform_4(%arg0: i32) -> (i32, i32) {
    %c0_i32 = arith.constant 0 : i32
    %c0_i32_0 = arith.constant 0 : i32
    return %arg0, %c0_i32 : i32, i32
  }
  func.func @transform_5(%arg0: i32) -> (i32, i32) {
    %c0_i32 = arith.constant 0 : i32
    %c0_i32_0 = arith.constant 0 : i32
    return %arg0, %c0_i32 : i32, i32
  }
}

module attributes {stable_mosaic.version = 14 : i64} {
  func.func @_mid_body(%arg0: i32, %arg1: memref<2x1000x128xf32, #tpu.memory_space<vmem>>, %arg2: memref<2x1000x8xf32, #tpu.memory_space<vmem>>, %arg3: memref<1000x128xf32, #tpu.memory_space<vmem>>, %arg4: memref<128x32xf32, #tpu.memory_space<vmem>>, %arg5: memref<128x32xf32, #tpu.memory_space<vmem>>, %arg6: memref<1x32xf32, #tpu.memory_space<vmem>>, %arg7: memref<1000x32xf32, #tpu.memory_space<vmem>>, %arg8: memref<1000x32xf32, #tpu.memory_space<vmem>>, %arg9: memref<1000x32xf32, #tpu.memory_space<vmem>>) attributes {dimension_semantics = [#tpu.dimension_semantics<arbitrary>], iteration_bounds = array<i64: 10>, scalar_prefetch = 0 : i64, scratch_operands = 0 : i64, tpu.core_type = #tpu.core_type<tc>, window_params = [{transform_indices = @transform_0, window_bounds = array<i64: 2, 1000, 128>}, {transform_indices = @transform_1, window_bounds = array<i64: 2, 1000, 8>}, {transform_indices = @transform_2, window_bounds = array<i64: 1000, 128>}, {pipeline_mode = #tpu.pipeline_mode<synchronous>, transform_indices = @transform_3, window_bounds = array<i64: 128, 32>}, {pipeline_mode = #tpu.pipeline_mode<synchronous>, transform_indices = @transform_4, window_bounds = array<i64: 128, 32>}, {pipeline_mode = #tpu.pipeline_mode<synchronous>, transform_indices = @transform_5, window_bounds = array<i64: 1, 32>}, {transform_indices = @transform_6, window_bounds = array<i64: 1000, 32>}, {transform_indices = @transform_7, window_bounds = array<i64: 1000, 32>}, {transform_indices = @transform_8, window_bounds = array<i64: 1000, 32>}]} {
    %get3A = arith.constant 0 : index
    %get3A_0 = arith.constant 0 : index
    %get3A_1 = arith.constant 0 : index
    %get3A_2 = vector.load %arg1[%get3A, %get3A_0, %get3A_1] : memref<2x1000x128xf32, #tpu.memory_space<vmem>>, vector<1x1000x128xf32>
    %get3A_3 = vector.shape_cast %get3A_2 : vector<1x1000x128xf32> to vector<1000x128xf32>
    %get3A_4 = arith.constant 1 : index
    %get3A_5 = arith.constant 0 : index
    %get3A_6 = arith.constant 0 : index
    %get3A_7 = vector.load %arg1[%get3A_4, %get3A_5, %get3A_6] : memref<2x1000x128xf32, #tpu.memory_space<vmem>>, vector<1x1000x128xf32>
    %get3A_8 = vector.shape_cast %get3A_7 : vector<1x1000x128xf32> to vector<1000x128xf32>
    %add3A = arith.addf %get3A_3, %get3A_8 : vector<1000x128xf32>
    %get3A_9 = arith.constant 0 : index
    %get3A_10 = arith.constant 0 : index
    %get3A_11 = arith.constant 0 : index
    %get3A_12 = vector.load %arg2[%get3A_9, %get3A_10, %get3A_11] : memref<2x1000x8xf32, #tpu.memory_space<vmem>>, vector<1x1000x8xf32>
    %get3A_13 = vector.shape_cast %get3A_12 : vector<1x1000x8xf32> to vector<1000x8xf32>
    %get3A_14 = arith.constant 1 : index
    %get3A_15 = arith.constant 0 : index
    %get3A_16 = arith.constant 0 : index
    %get3A_17 = vector.load %arg2[%get3A_14, %get3A_15, %get3A_16] : memref<2x1000x8xf32, #tpu.memory_space<vmem>>, vector<1x1000x8xf32>
    %get3A_18 = vector.shape_cast %get3A_17 : vector<1x1000x8xf32> to vector<1000x8xf32>
    %add3A_19 = arith.addf %get3A_13, %get3A_18 : vector<1000x8xf32>
    %slice3A = vector.extract_strided_slice %add3A_19 {offsets = [0, 0], sizes = [1000, 1], strides = [1, 1]} : vector<1000x8xf32> to vector<1000x1xf32>
    %max3A = arith.constant 1.000000e+00 : f32
    %max3A_20 = vector.broadcast %max3A : f32 to vector<1000x1xf32>
    %max3A_21 = arith.maximumf %slice3A, %max3A_20 : vector<1000x1xf32>
    %div3A = arith.constant 1.000000e+00 : f32
    %div3A_22 = vector.broadcast %div3A : f32 to vector<1000x1xf32>
    %div3A_23 = arith.divf %div3A_22, %max3A_21 : vector<1000x1xf32>
    %mul3A = vector.broadcast %div3A_23 : vector<1000x1xf32> to vector<1000x128xf32>
    %mul3A_24 = arith.mulf %add3A, %mul3A : vector<1000x128xf32>
    %get3A_25 = arith.constant 0 : index
    %get3A_26 = arith.constant 0 : index
    %get3A_27 = vector.load %arg3[%get3A_25, %get3A_26] : memref<1000x128xf32, #tpu.memory_space<vmem>>, vector<1000x128xf32>
    %add3A_28 = arith.addf %mul3A_24, %get3A_27 : vector<1000x128xf32>
    %max3A_29 = arith.constant 0.000000e+00 : f32
    %max3A_30 = vector.broadcast %max3A_29 : f32 to vector<1000x128xf32>
    %max3A_31 = arith.maximumf %add3A_28, %max3A_30 : vector<1000x128xf32>
    %get3A_32 = arith.constant 0 : index
    %get3A_33 = arith.constant 0 : index
    %get3A_34 = vector.load %arg4[%get3A_32, %get3A_33] : memref<128x32xf32, #tpu.memory_space<vmem>>, vector<128x32xf32>
    %dot_general3A = arith.constant dense<0.000000e+00> : vector<1000x32xf32>
    %dot_general3A_35 = tpu.matmul %max3A_31, %get3A_34, %dot_general3A {dimension_numbers = #tpu.dot_dimension_numbers<[1], [0], [0], [1], [0, 0, 1, 1], [], []>, transpose_lhs_hint = false} : vector<1000x128xf32>, vector<128x32xf32>, vector<1000x32xf32> -> vector<1000x32xf32>
    %swap3A = arith.constant 0 : index
    %swap3A_36 = arith.constant 0 : index
    %swap3A_37 = vector.load %arg7[%swap3A, %swap3A_36] : memref<1000x32xf32, #tpu.memory_space<vmem>>, vector<1000x32xf32>
    tpu.vector_store %arg7[%swap3A, %swap3A_36], %dot_general3A_35 {strides = array<i32>} : memref<1000x32xf32, #tpu.memory_space<vmem>>, vector<1000x32xf32>,
    %get3A_38 = arith.constant 0 : index
    %get3A_39 = arith.constant 0 : index
    %get3A_40 = vector.load %arg5[%get3A_38, %get3A_39] : memref<128x32xf32, #tpu.memory_space<vmem>>, vector<128x32xf32>
    %dot_general3A_41 = arith.constant dense<0.000000e+00> : vector<1000x32xf32>
    %dot_general3A_42 = tpu.matmul %max3A_31, %get3A_40, %dot_general3A_41 {dimension_numbers = #tpu.dot_dimension_numbers<[1], [0], [0], [1], [0, 0, 1, 1], [], []>, transpose_lhs_hint = false} : vector<1000x128xf32>, vector<128x32xf32>, vector<1000x32xf32> -> vector<1000x32xf32>
    %get3A_43 = arith.constant 0 : index
    %get3A_44 = arith.constant 0 : index
    %get3A_45 = vector.load %arg6[%get3A_43, %get3A_44] : memref<1x32xf32, #tpu.memory_space<vmem>>, vector<1x32xf32>
    %add3A_46 = vector.broadcast %get3A_45 : vector<1x32xf32> to vector<1000x32xf32>
    %add3A_47 = arith.addf %dot_general3A_42, %add3A_46 : vector<1000x32xf32>
    %swap3A_48 = arith.constant 0 : index
    %swap3A_49 = arith.constant 0 : index
    %swap3A_50 = vector.load %arg8[%swap3A_48, %swap3A_49] : memref<1000x32xf32, #tpu.memory_space<vmem>>, vector<1000x32xf32>
    tpu.vector_store %arg8[%swap3A_48, %swap3A_49], %add3A_47 {strides = array<i32>} : memref<1000x32xf32, #tpu.memory_space<vmem>>, vector<1000x32xf32>,
    %broadcast_in_dim3A = vector.shape_cast %div3A_23 : vector<1000x1xf32> to vector<1000x1xf32>
    %broadcast_in_dim3A_51 = vector.broadcast %broadcast_in_dim3A : vector<1000x1xf32> to vector<1000x32xf32>
    %swap3A_52 = arith.constant 0 : index
    %swap3A_53 = arith.constant 0 : index
    %swap3A_54 = vector.load %arg9[%swap3A_52, %swap3A_53] : memref<1000x32xf32, #tpu.memory_space<vmem>>, vector<1000x32xf32>
    tpu.vector_store %arg9[%swap3A_52, %swap3A_53], %broadcast_in_dim3A_51 {strides = array<i32>} : memref<1000x32xf32, #tpu.memory_space<vmem>>, vector<1000x32xf32>,
    return
  }
  func.func @transform_0(%arg0: i32) -> (i32, i32, i32) {
    %c0_i32 = arith.constant 0 : i32
    %c0_i32_0 = arith.constant 0 : i32
    %c0_i32_1 = arith.constant 0 : i32
    return %c0_i32, %arg0, %c0_i32_0 : i32, i32, i32
  }
  func.func @transform_1(%arg0: i32) -> (i32, i32, i32) {
    %c0_i32 = arith.constant 0 : i32
    %c0_i32_0 = arith.constant 0 : i32
    %c0_i32_1 = arith.constant 0 : i32
    return %c0_i32, %arg0, %c0_i32_0 : i32, i32, i32
  }
  func.func @transform_2(%arg0: i32) -> (i32, i32) {
    %c0_i32 = arith.constant 0 : i32
    %c0_i32_0 = arith.constant 0 : i32
    return %arg0, %c0_i32 : i32, i32
  }
  func.func @transform_3(%arg0: i32) -> (i32, i32) {
    %c0_i32 = arith.constant 0 : i32
    %c0_i32_0 = arith.constant 0 : i32
    %c0_i32_1 = arith.constant 0 : i32
    return %c0_i32, %c0_i32_0 : i32, i32
  }
  func.func @transform_4(%arg0: i32) -> (i32, i32) {
    %c0_i32 = arith.constant 0 : i32
    %c0_i32_0 = arith.constant 0 : i32
    %c0_i32_1 = arith.constant 0 : i32
    return %c0_i32, %c0_i32_0 : i32, i32
  }
  func.func @transform_5(%arg0: i32) -> (i32, i32) {
    %c0_i32 = arith.constant 0 : i32
    %c0_i32_0 = arith.constant 0 : i32
    %c0_i32_1 = arith.constant 0 : i32
    return %c0_i32, %c0_i32_0 : i32, i32
  }
  func.func @transform_6(%arg0: i32) -> (i32, i32) {
    %c0_i32 = arith.constant 0 : i32
    %c0_i32_0 = arith.constant 0 : i32
    return %arg0, %c0_i32 : i32, i32
  }
  func.func @transform_7(%arg0: i32) -> (i32, i32) {
    %c0_i32 = arith.constant 0 : i32
    %c0_i32_0 = arith.constant 0 : i32
    return %arg0, %c0_i32 : i32, i32
  }
  func.func @transform_8(%arg0: i32) -> (i32, i32) {
    %c0_i32 = arith.constant 0 : i32
    %c0_i32_0 = arith.constant 0 : i32
    return %arg0, %c0_i32 : i32, i32
  }
}

module attributes {stable_mosaic.version = 14 : i64} {
  func.func @_final_body(%arg0: i32, %arg1: memref<2x1000x32xf32, #tpu.memory_space<vmem>>, %arg2: memref<1000x32xf32, #tpu.memory_space<vmem>>, %arg3: memref<1000x32xf32, #tpu.memory_space<vmem>>, %arg4: memref<1000x32xf32, #tpu.memory_space<vmem>>) attributes {dimension_semantics = [#tpu.dimension_semantics<arbitrary>], iteration_bounds = array<i64: 10>, scalar_prefetch = 0 : i64, scratch_operands = 0 : i64, tpu.core_type = #tpu.core_type<tc>, window_params = [{transform_indices = @transform_0, window_bounds = array<i64: 2, 1000, 32>}, {transform_indices = @transform_1, window_bounds = array<i64: 1000, 32>}, {transform_indices = @transform_2, window_bounds = array<i64: 1000, 32>}, {transform_indices = @transform_3, window_bounds = array<i64: 1000, 32>}]} {
    %get3A = arith.constant 0 : index
    %get3A_0 = arith.constant 0 : index
    %get3A_1 = arith.constant 0 : index
    %get3A_2 = vector.load %arg1[%get3A, %get3A_0, %get3A_1] : memref<2x1000x32xf32, #tpu.memory_space<vmem>>, vector<1x1000x32xf32>
    %get3A_3 = vector.shape_cast %get3A_2 : vector<1x1000x32xf32> to vector<1000x32xf32>
    %get3A_4 = arith.constant 1 : index
    %get3A_5 = arith.constant 0 : index
    %get3A_6 = arith.constant 0 : index
    %get3A_7 = vector.load %arg1[%get3A_4, %get3A_5, %get3A_6] : memref<2x1000x32xf32, #tpu.memory_space<vmem>>, vector<1x1000x32xf32>
    %get3A_8 = vector.shape_cast %get3A_7 : vector<1x1000x32xf32> to vector<1000x32xf32>
    %add3A = arith.addf %get3A_3, %get3A_8 : vector<1000x32xf32>
    %get3A_9 = arith.constant 0 : index
    %get3A_10 = arith.constant 0 : index
    %get3A_11 = vector.load %arg3[%get3A_9, %get3A_10] : memref<1000x32xf32, #tpu.memory_space<vmem>>, vector<1000x32xf32>
    %mul3A = arith.mulf %add3A, %get3A_11 : vector<1000x32xf32>
    %get3A_12 = arith.constant 0 : index
    %get3A_13 = arith.constant 0 : index
    %get3A_14 = vector.load %arg2[%get3A_12, %get3A_13] : memref<1000x32xf32, #tpu.memory_space<vmem>>, vector<1000x32xf32>
    %add3A_15 = arith.addf %mul3A, %get3A_14 : vector<1000x32xf32>
    %reduce_max3A = arith.constant dense<0xFF800000> : vector<1000xf32>
    %reduce_max3A_16 = vector.multi_reduction <maximumf>, %add3A_15, %reduce_max3A [1] : vector<1000x32xf32> to vector<1000xf32>
    %broadcast_in_dim3A = vector.shape_cast %reduce_max3A_16 : vector<1000xf32> to vector<1000x1xf32>
    %sub3A = vector.broadcast %broadcast_in_dim3A : vector<1000x1xf32> to vector<1000x32xf32>
    %sub3A_17 = arith.subf %add3A_15, %sub3A : vector<1000x32xf32>
    %exp3A = math.exp %sub3A_17 : vector<1000x32xf32>
    %reduce_sum3A = arith.constant dense<0.000000e+00> : vector<1000xf32>
    %reduce_sum3A_18 = vector.multi_reduction <add>, %exp3A, %reduce_sum3A [1] : vector<1000x32xf32> to vector<1000xf32>
    %broadcast_in_dim3A_19 = vector.shape_cast %reduce_sum3A_18 : vector<1000xf32> to vector<1000x1xf32>
    %log3A = math.log %broadcast_in_dim3A_19 : vector<1000x1xf32>
    %add3A_20 = arith.addf %log3A, %broadcast_in_dim3A : vector<1000x1xf32>
    %sub3A_21 = vector.broadcast %add3A_20 : vector<1000x1xf32> to vector<1000x32xf32>
    %sub3A_22 = arith.subf %add3A_15, %sub3A_21 : vector<1000x32xf32>
    %swap3A = arith.constant 0 : index
    %swap3A_23 = arith.constant 0 : index
    %swap3A_24 = vector.load %arg4[%swap3A, %swap3A_23] : memref<1000x32xf32, #tpu.memory_space<vmem>>, vector<1000x32xf32>
    tpu.vector_store %arg4[%swap3A, %swap3A_23], %sub3A_22 {strides = array<i32>} : memref<1000x32xf32, #tpu.memory_space<vmem>>, vector<1000x32xf32>,
    return
  }
  func.func @transform_0(%arg0: i32) -> (i32, i32, i32) {
    %c0_i32 = arith.constant 0 : i32
    %c0_i32_0 = arith.constant 0 : i32
    %c0_i32_1 = arith.constant 0 : i32
    return %c0_i32, %arg0, %c0_i32_0 : i32, i32, i32
  }
  func.func @transform_1(%arg0: i32) -> (i32, i32) {
    %c0_i32 = arith.constant 0 : i32
    %c0_i32_0 = arith.constant 0 : i32
    return %arg0, %c0_i32 : i32, i32
  }
  func.func @transform_2(%arg0: i32) -> (i32, i32) {
    %c0_i32 = arith.constant 0 : i32
    %c0_i32_0 = arith.constant 0 : i32
    return %arg0, %c0_i32 : i32, i32
  }
  func.func @transform_3(%arg0: i32) -> (i32, i32) {
    %c0_i32 = arith.constant 0 : i32
    %c0_i32_0 = arith.constant 0 : i32
    return %arg0, %c0_i32 : i32, i32
  }
}

</mosaic_0001>

<sc_bundles>
// kernel: kernel.11.cloned.1.call-start
scs
__scs_entry_jumppad:
0x0: {  	(pc) =	sbr.rel $0x88, $3  }
0x1: {  	(tag) =	ssettag $0x0;
	lr =	simm.s32 $0x1  }
0x2: {  	[smem:$0x3F99] =	sst lr;
	_ =	strace $0xD0000000  }
0x3: {  	_ = 	snop  }
0x4: {  	_ = 	snop  }
0x5: {  	_ = 	snop  }
0x6: {  	_ = 	snop  }
0x7: {  	_ = 	snop  }
__scs_overlays_trampoline_lowered:
0x8: {  	[smem:$0x3FA8] =	sst s0  }
0x9: {  	[smem:$0x3FA9] =	sst s1  }
0xa: {  	[smem:$0x3FAA] =	sst s2  }
0xb: {  	[smem:$0x3FAB] =	sst s3  }
0xc: {  	[smem:$0x3FAC] =	sst s4  }
0xd: {  	[smem:$0x3FAD] =	sst s5  }
0xe: {  	[smem:$0x3FAE] =	sst s6  }
0xf: {  	[smem:$0x3FAF] =	sst s7  }
0x10: {  	[smem:$0x3FB0] =	sst s8  }
0x11: {  	[smem:$0x3FB1] =	sst s9;
	s0 =	simm.s32 @!p0 $0x0  }
0x12: {  	s1 =	sld [smem:$0x3F97];
	s0 =	simm.s32 @p0 $0x1  }
0x13: {  	[smem:$0x3FB2] =	sst s0;
	s0 =	simm.s32 @!p1 $0x0  }
0x14: {  	s2 =	sld [smem:$0x3F96];
	s0 =	simm.s32 @p1 $0x1  }
0x15: {  	[smem:$0x3FB3] =	sst s0;
	s0 =	simm.s32 @!p2 $0x0  }
0x16: {  	s3 =	sld [smem:$0x3FDB];
	s0 =	simm.s32 @p2 $0x1  }
0x17: {  	s4 =	simm.s32 $0x1BF5;
	[smem:$0x3FB5] =	sst s0  }
0x18: {  	s0 =	sld [smem:$0x3F98];
	_ =	swait.ge [sflag:s4], $0x0  }
0x19: {  	s7 =	sld [smem:$0x3F99]  }
0x1a: {  	s8 =	sadd.s32 $0xFFFFE003, lr  }
0x1b: {  	s9 =	sadd.s32 $0xFFFFFEF7, lr;
	s5 =	simm.s32 $0xFFFFFFFF;
	p2 =	slt.u32 s8, $0xFFFFF086  }
0x1c: {  	p1 =	slt.u32 s9, $0xF7A;
	s5 =	simm.s32 @!p2 $0x0  }
0x1d: {  	s5 =	simm.s32 @p1 $0x1;
	p0 =	seq.s32 s7, s2  }
0x1e: {  	s7 =	smul.u32 @!p0 $0xF7A, s2;
	p2 =	seq.s32 @!p0 s5, $0x0  }
0x1f: {  	s9 =	smul.u32 $0xF7A, s1;
	s8 =	simm.s32 @!p0 $0x1BF5;
	p2 =	por !p2, p0  }
0x20: {  	[sflag:s8] =	ssyncset.s32 @!p0 $0xFFFFF086;
	s6 =	sadd.s32 @!p0 s3, s7;
	s7 =	simm.s32 @!p0 $0x108  }
0x21: {  	s3 =	sadd.s32 s3, s9;
	s6 =	sadd.s32 @!p0 $0x88, s6;
	s7 =	simm.s32 @p2 $0x1082  }
0x22: {  	[simem:s7], [sflag:s8] =	dma.local @!p0 [hbm:s6], $0xF7A  }
0x23: {  	s9 =	sor.u32 $0xD0000000, s2;
	s6 =	simm.s32 $0x108;
	_ =	swait.ge @!p0 [sflag:s8], $0x0  }
0x24: {  	s3 =	sadd.s32 $0x88, s3;
	s6 =	simm.s32 @!p1 $0x1082;
	[sflag:s4] =	ssyncset.s32 $0xFFFFF086  }
0x25: {  	[simem:s6], [sflag:s4] =	dma.local [hbm:s3], $0xF7A  }
0x26: {  	[smem:$0x3F99] =	sst s1;
	(tag) =	ssettag s2;
	_ =	strace s9  }
0x27: {  	s1 =	sld [smem:$0x3FA9]  }
0x28: {  	s2 =	sld [smem:$0x3FAA]  }
0x29: {  	s4 =	sld [smem:$0x3FAC]  }
0x2a: {  	p0 =	seq.s32 s5, $0x0;
	s5 =	sld [smem:$0x3FAD]  }
0x2b: {  	s6 =	sld [smem:$0x3FAE]  }
0x2c: {  	s7 =	sld [smem:$0x3FAF]  }
0x2d: {  	s3 =	simm.s32 $0x108;
	s8 =	sld [smem:$0x3FB0]  }
0x2e: {  	s3 =	simm.s32 @!p0 $0x1082;
	s9 =	sld [smem:$0x3FB1]  }
0x2f: {  	lr =	sadd.s32 s0, s3;
	s0 =	sld [smem:$0x3FA8]  }
0x30: {  	s3 =	sld [smem:$0x3FAB]  }
0x31: {  	[smem:$0x3FB4] =	sst s10  }
0x32: {  	s10 =	sld [smem:$0x3FB2];
	_ =	sdelay $0x3  }
0x33: {  	p0 =	seq.s32 s10, $0x1;
	s10 =	sld [smem:$0x3FB4];
	_ =	sdelay $0x3  }
0x34: {  	[smem:$0x3FB4] =	sst s10  }
0x35: {  	s10 =	sld [smem:$0x3FB3];
	_ =	sdelay $0x3  }
0x36: {  	p1 =	seq.s32 s10, $0x1;
	s10 =	sld [smem:$0x3FB4];
	_ =	sdelay $0x3  }
0x37: {  	[smem:$0x3FB4] =	sst s10  }
0x38: {  	s10 =	sld [smem:$0x3FB5]  }
0x39: {  	_ = 	snop;
	(pc) =	sbr.ind lr, $3  }
0x3a: {  	_ = 	snop  }
0x3b: {  	_ = 	snop  }
0x3c: {  	p2 =	seq.s32 s10, $0x1;
	s10 =	sld [smem:$0x3FB4]  }
0x3d: {  	_ =	shalt  }
0x3e: {  	_ =	shalt  }
0x3f: {  	_ =	shalt  }
0x40: {  	_ =	shalt  }
0x41: {  	_ =	shalt  }
0x42: {  	_ =	shalt  }
0x43: {  	_ =	shalt  }
0x44: {  	_ =	shalt  }
0x45: {  	_ =	shalt  }
0x46: {  	_ =	shalt  }
0x47: {  	_ =	shalt  }
0x48: {  	_ =	shalt  }
0x49: {  	_ =	shalt  }
0x4a: {  	_ =	shalt  }
0x4b: {  	_ =	shalt  }
0x4c: {  	_ =	shalt  }
0x4d: {  	_ =	shalt  }
0x4e: {  	_ =	shalt  }
0x4f: {  	_ =	shalt  }
0x50: {  	_ =	shalt  }
0x51: {  	_ =	shalt  }
0x52: {  	_ =	shalt  }
0x53: {  	_ =	shalt  }
0x54: {  	_ =	shalt  }
0x55: {  	_ =	shalt  }
0x56: {  	_ =	shalt  }
0x57: {  	_ =	shalt  }
0x58: {  	_ =	shalt  }
0x59: {  	_ =	shalt  }
0x5a: {  	_ =	shalt  }
0x5b: {  	_ =	shalt  }
0x5c: {  	_ =	shalt  }
0x5d: {  	_ =	shalt  }
0x5e: {  	_ =	shalt  }
0x5f: {  	_ =	shalt  }
0x60: {  	_ =	shalt  }
0x61: {  	_ =	shalt  }
0x62: {  	_ =	shalt  }
0x63: {  	_ =	shalt  }
0x64: {  	_ =	shalt  }
0x65: {  	_ =	shalt  }
0x66: {  	_ =	shalt  }
0x67: {  	_ =	shalt  }
0x68: {  	_ =	shalt  }
0x69: {  	_ =	shalt  }
0x6a: {  	_ =	shalt  }
0x6b: {  	_ =	shalt  }
0x6c: {  	_ =	shalt  }
0x6d: {  	_ =	shalt  }
0x6e: {  	_ =	shalt  }
0x6f: {  	_ =	shalt  }
0x70: {  	_ =	shalt  }
0x71: {  	_ =	shalt  }
0x72: {  	_ =	shalt  }
0x73: {  	_ =	shalt  }
0x74: {  	_ =	shalt  }
0x75: {  	_ =	shalt  }
0x76: {  	_ =	shalt  }
0x77: {  	_ =	shalt  }
0x78: {  	_ =	shalt  }
0x79: {  	_ =	shalt  }
0x7a: {  	_ =	shalt  }
0x7b: {  	_ =	shalt  }
0x7c: {  	_ =	shalt  }
0x7d: {  	_ =	shalt  }
0x7e: {  	_ =	shalt  }
0x7f: {  	_ =	shalt  }
0x80: {  	_ =	shalt  }
0x81: {  	_ =	shalt  }
0x82: {  	_ =	shalt  }
0x83: {  	_ =	shalt  }
0x84: {  	_ =	shalt  }
0x85: {  	_ =	shalt  }
0x86: {  	_ =	shalt  }
0x87: {  	_ =	shalt  }
.Lfunc_end0:
.L_simem_size_0:
called_computation.1_lowered:
.L_overlay_start_0:
0x88: {  	s2 =	sld [smem:$0x3FD9]  }
0x89: {  	s3 =	sld [smem:$0x3FFE];
	_ =	sdelay $0x1  }
0x8a: {  	s1 =	srdreg.scid  }
0x8b: {  	s0 =	sand.u32 $0x1, s1  }
0x8c: {  	s17 =	sshll.u32 s0, $0xA;
	s2 =	sadd.s32 s3, s2  }
0x8d: {  	s2 =	sadd.s32 s2, s17  }
0x8e: {  	[smem:$0x3FC0] =	sst s2  }
0x8f: {  	_ = 	snop  }
0x90: {  	(tm) =	ssettm $0x1  }
0x91: {  	s18 =	sld [smem:$0x3FFB];
	_ =	sdelay $0x3  }
0x92: {  	_ =	strace s18  }
0x93: {  	s2 =	sld [smem:$0x3FFC];
	_ =	sdelay $0x3  }
0x94: {  	_ =	strace s2  }
0x95: {  	s2 =	sld [smem:$0x3FFD];
	_ =	sdelay $0x3  }
0x96: {  	_ =	strace s2  }
0x97: {  	_ =	strace $0x8FFFFFFF  }
0x98: {  	s19 =	sld [smem:$0x3FDB];
	_ =	sdelay $0x1  }
0x99: {  	s20 =	simm.s32 $_scs_section_size  }
0x9a: {  	s4 =	simm.s32 $_size__tile_overlayer_lowered;
	s5 =	simm.s32 $_tile_overlayer_lowered  }
0x9b: {  	s6 =	simm.s32 $0x1BFF;
	s21 =	sshll.u32 s5, $0x1;
	s3 =	sadd.s32 s20, s19  }
0x9c: {  	s22 =	simm.s32 $0x0;
	s4 =	sshll.u32 s4, $0x1;
	s5 =	sadd.s32 s21, s3  }
0x9d: {  	[timem:s22], [sflag:s6] =	dma.local [hbm:s5], s4  }
0x9e: {  	_ =	swait.ge [sflag:s6], s4  }
0x9f: {  	s4 =	ssub.s32 $0x0, s4;
	[sflag:s6] =	ssyncset.done $0x0  }
0xa0: {  	[sflag:s6] =	ssyncadd.s32 s4;
	_ =	sdelay $0x1  }
0xa1: {  	s23 =	simm.s32 $0x1B8B  }
0xa2: {  	_ =	swait.ge [sflag:s23], $0x1  }
0xa3: {  	[sflag:s23] =	ssyncset.done $0x0  }
0xa4: {  	[sflag:s23] =	ssyncadd.s32 $0xFFFFFFFF  }
0xa5: {  	s4 =	sld [smem:$0x0]  }
0xa6: {  	s5 =	sand.u32 $0xFFFFFFFE, s1  }
0xa7: {  	p0 =	sne.s32 s1, s5  }
0xa8: {  	s5 =	sshll.u32 @p0 s5, $0xE  }
0xa9: {  	s5 =	sadd.s32 @p0 $0x11B8D, s5;
	s6 =	sshll.u32 @p0 s4, $0x11  }
0xaa: {  	s5 =	sor.u32 @p0 s6, s5  }
0xab: {  	[sflag:s5] =	ssyncadd.remote.s32 @p0 $0x1;
	_ =	sdelay $0x1  }
0xac: {  	s5 =	simm.s32 @p0 $0x1B8D  }
0xad: {  	_ =	swait.eq @p0 [sflag:s5], $0x1  }
0xae: {  	[sflag:s5] =	ssyncadd.s32 @p0 $0xFFFFFFFF  }
0xaf: {  	s6 =	sshll.u32 @!p0 s1, $0xE  }
0xb0: {  	s6 =	sor.u32 @!p0 $0x4000, s6;
	s5 =	simm.s32 @!p0 $0x1B8D  }
0xb1: {  	s4 =	sshll.u32 @!p0 s4, $0x11;
	s6 =	sadd.s32 @!p0 $0x11B8D, s6;
	_ =	swait.eq @!p0 [sflag:s5], $0x1  }
0xb2: {  	s4 =	sor.u32 @!p0 s4, s6;
	[sflag:s5] =	ssyncadd.s32 @!p0 $0xFFFFFFFF  }
0xb3: {  	s25 =	simm.s32 $0x1B8E;
	s24 =	sld [smem:$0x3FFE];
	[sflag:s4] =	ssyncadd.remote.s32 @!p0 $0x1  }
0xb4: {  	s26 =	simm.s32 $execute0_lowered;
	[smem:$0x3FD2] =	sst s25  }
0xb5: {  	s5 =	sshll.u32 s26, $0x1;
	_ =	strace $0x80000049;
	[dreg:$0x1] =	wrdreg $0xFFFFFFFF  }
0xb6: {  	s28 =	simm.s32 $_size_execute0_lowered;
	s3 =	sadd.s32 s3, s5;
	[dreg:$0x0] =	wrdreg $0x0  }
0xb7: {  	s5 =	sshll.u32 s28, $0x1;
	[dreg:$0x2] =	wrdreg s3  }
0xb8: {  	[dreg:$0x3] =	wrdreg s5  }
0xb9: {  	[dreg:$0x4] =	wrdreg $0xC0  }
0xba: {  	_ =	task [dreg:s22], $0x5FFFF  }
0xbb: {  	[dreg:$0x1] =	wrdreg $0xFFFFFFFF  }
0xbc: {  	[dreg:$0x0] =	wrdreg $0x60  }
0xbd: {  	[dreg:$0x2] =	wrdreg s24  }
0xbe: {  	[dreg:$0x3] =	wrdreg $0xA8000  }
0xbf: {  	[dreg:$0x4] =	wrdreg $0xA  }
0xc0: {  	_ =	task.clear_ibuf [dreg:s22], $0x5FFFF;
	_ =	strace $0x90000049  }
0xc1: {  	s29 =	simm.s32 $0xA;
	_ =	strace $0x8000004B  }
0xc2: {  	_ =	swait.ge [sflag:s29], $0x1  }
0xc3: {  	[sflag:s29] =	ssyncadd.s32 $0xFFFFFFFF  }
0xc4: {  	_ =	strace $0x9000004B  }
0xc5: {  	_ =	sfence  }
0xc6: {  	s30 =	sld [smem:$0x0];
	_ =	sdelay $0x2  }
0xc7: {  	s31 =	sshll.u32 s1, $0xD;
	s1 =	sshrl.u32 s1, $0x2  }
0xc8: {  	s4 =	sand.u32 $0x4000, s31;
	s1 =	sadd.s32 s1, s30  }
0xc9: {  	s0 =	sor.u32 s4, s0;
	s1 =	sshll.u32 s1, $0x11  }
0xca: {  	s0 =	sor.u32 s1, s0  }
0xcb: {  	s0 =	sadd.s32 $0x8F2B, s0  }
0xcc: {  	[sflag:s0] =	ssyncadd.remote.s32 $0x1  }
0xcd: {  	_ =	sfence.sel $0xFFFF  }
0xce: {  	[dreg:$0x0] =	wrdreg $0xFFFFFFFF;
	(pc) =	sbr.abs _section_cstart, $3  }
0xcf: {  	[dreg:$0x1] =	wrdreg $0xFFFFFFFF  }
0xd0: {  	_ =	task.clear_ibuf [dreg:s22], $0x2FFFF;
	_ =	strace $0x9FFFFFFF  }
0xd1: {  	(tm) =	ssettm $0x7FFFFFFF  }
tec
execute0_lowered:
.L_overlay_start_1:
0x0: {  	(tag) =	ssettag $0x1  }
0x1: {  	s6 =	rddreg [dreg:$0x0]  }
0x2: {  	s1 =	rddreg [dreg:$0x1]  }
0x3: {  	s2 =	srdreg.scid;
	s0 =	rddreg [dreg:$0x2]  }
0x4: {  	s3 =	simm.s32 $0x0;
	s16 =	simm.s32 $0x80;
	s17 =	simm.s32 $0x2800  }
0x5: {  	s18 =	simm.s32 $0x6800;
	s19 =	simm.s32 $0x1;
	s20 =	simm.s32 $0x2  }
0x6: {  	s21 =	simm.s32 $0x2700;
	s22 =	simm.s32 $0x2780;
	s23 =	simm.s32 $0x0  }
0x7: {  	s7 =	sand.u32 $0x1, s2;
	s2 =	stileid.u32;
	[smem:$0x7FF] =	sst s3  }
0x8: {  	s4 =	sadd.s32 $0x2A000, s6;
	s10 =	sadd.s32 $0x1C00, s6;
	s8 =	smul.u32 $0x13C000, s7  }
0x9: {  	s11 =	sadd.s32 $0xBC00, s6;
	s5 =	sadd.s32 $0x51200, s6;
	s9 =	smul.u32 $0x13C00, s2  }
0xa: {  	_ =	strace $0x8000004A;
	s24 =	ssub.s32 $0x2, s7;
	s7 =	sshll.u32 s7, $0x4  }
0xb: {  	s13 =	smul.u32 $0x4F000, s2;
	s28 =	sshll.u32 s2, $0x6;
	s7 =	sor.u32 s2, s7  }
0xc: {  	s12 =	sshrl.u32 s24, $0x1;
	s8 =	sadd.s32 s9, s8;
	s25 =	smul.u32 $0x2800, s7  }
0xd: {  	s12 =	ssub.s32 s24, s12;
	s26 =	sshrl.u32 s13, $0x2;
	s29 =	smul.u32 $0x500, s7  }
0xe: {  	s8 =	sshrl.u32 s8, $0x3;
	s15 =	sadd.s32 s26, s1;
	s12 =	smax.u32 s12, $0x1  }
0xf: {  	s14 =	sadd.s32 s8, s6;
	s6 =	sor.u32 $0x1C03, s28;
	s30 =	sshrl.u32 s25, $0x3  }
0x10: {  	s7 =	sadd.s32 s10, s29;
	s8 =	sadd.s32 s11, s29;
	s31 =	sadd.s32 $0x280, s30  }
0x11: {  	s13 =	sshrl.u32 s15, $0x3;
	s15 =	simm.s32 $0x1400;
	s9 =	sadd.s32 s10, s31  }
0x12: {  	s10 =	sadd.s32 s11, s31;
	s11 =	sadd.s32 $0x53A00, s14;
	s14 =	simm.s32 $0x3  }
.LBB2_1:
0x13: {  	[spmem:s13], [sflag:s6] =	dma.local [hbm:s5], $0x2780  }
0x14: {  	_ =	swait.ge [sflag:s14], $0x2780  }
0x15: {  	[sflag:s14] =	ssyncset.done $0x0  }
0x16: {  	[sflag:s14] =	ssyncadd.s32 $0xFFFFD880  }
0x17: {  	[bflag:$0x0] =	sbarrier.arrive $0xFFFF  }
0x18: {  	[tilespmem:s3], [sflag:$0x3] =	stream.linear.gather [hbm4b:s7+s3], $0x1400, $0x38;
	[tilespmem:$0x1E400] =	vst v63  }
0x19: {  	_ =	swait.ge [sflag:s14], $0x1400  }
0x1a: {  	[sflag:s14] =	ssyncset.done $0x0  }
0x1b: {  	[sflag:s14] =	ssyncadd.s32 $0xFFFFEC00  }
0x1c: {  	[tilespmem:s15], [sflag:$0x3] =	stream.linear.gather [hbm4b:s8+s3], $0x1400, $0x38;
	[tilespmem:$0x1E400] =	vst v63  }
0x1d: {  	_ =	swait.ge [sflag:s14], $0x1400  }
0x1e: {  	[sflag:s14] =	ssyncset.done $0x0  }
0x1f: {  	[sflag:s14] =	ssyncadd.s32 $0xFFFFEC00  }
0x20: {  	[tilespmem:s17], [sflag:$0x1] =	stream.indirect.gather [hbm4b:s4+s16], $0x80, s3, s16, $0xb8;
	[tilespmem:$0x1E400] =	vst v63  }
0x21: {  	_ = 	snop  }
0x22: {  	[tilespmem:s18], [sflag:$0x2] =	stream.indirect.gather [hbm4b:s4+s16], $0x80, s16, s16, $0xb8;
	[tilespmem:$0x1E400] =	vst v63  }
0x23: {  	_ =	swait.ge [sflag:s19], $0x4000  }
0x24: {  	[sflag:s19] =	ssyncset.done $0x0  }
0x25: {  	s24 =	simm.s32 $0x1400;
	[sflag:s19] =	ssyncadd.s32 $0xFFFFC000  }
0x26: {  	[spmem:s1] =	stream.indirect.scatter.add.f32 [tilespmem:s17], [sflag:$0x3], $0x80, s24, s16, $0xb8;
	[tilespmem:$0x1E400] =	vst v63  }
0x27: {  	_ =	swait.ge [sflag:s14], $0x4000  }
0x28: {  	[sflag:s14] =	ssyncset.done $0x0  }
0x29: {  	s30 =	simm.s32 $0x100;
	[sflag:s14] =	ssyncadd.s32 $0xFFFFC000  }
0x2a: {  	[tilespmem:s17], [sflag:$0x1] =	stream.indirect.gather [hbm4b:s4+s16], $0x80, s30, s16, $0xb8;
	[tilespmem:$0x1E400] =	vst v63  }
0x2b: {  	_ =	swait.ge [sflag:s20], $0x4000  }
0x2c: {  	[sflag:s20] =	ssyncset.done $0x0  }
0x2d: {  	s31 =	simm.s32 $0x1480;
	[sflag:s20] =	ssyncadd.s32 $0xFFFFC000  }
0x2e: {  	[spmem:s1] =	stream.indirect.scatter.add.f32 [tilespmem:s18], [sflag:$0x3], $0x80, s31, s16, $0xb8;
	[tilespmem:$0x1E400] =	vst v63  }
0x2f: {  	_ =	swait.ge [sflag:s14], $0x4000  }
0x30: {  	[sflag:s14] =	ssyncset.done $0x0  }
0x31: {  	s25 =	simm.s32 $0x180;
	s24 =	simm.s32 $0x400;
	[sflag:s14] =	ssyncadd.s32 $0xFFFFC000  }
.LBB2_2:
0x32: {  	[tilespmem:s18], [sflag:$0x2] =	stream.indirect.gather [hbm4b:s4+s16], $0x80, s25, s16, $0xb8;
	[tilespmem:$0x1E400] =	vst v63  }
0x33: {  	s25 =	smov.u32 s24  }
0x34: {  	p0 =	sne.s32 s24, $0x4800;
	s24 =	sadd.s32 $0x400, s24;
	_ =	swait.ge [sflag:s19], $0x4000  }
0x35: {  	s25 =	sshra.s32 s25, $0x2;
	[sflag:s19] =	ssyncset.done $0x0  }
0x36: {  	s26 =	sadd.s32 $0x1400, s25;
	[sflag:s19] =	ssyncadd.s32 $0xFFFFC000  }
0x37: {  	[spmem:s1] =	stream.indirect.scatter.add.f32 [tilespmem:s17], [sflag:$0x3], $0x80, s26, s16, $0xb8;
	[tilespmem:$0x1E400] =	vst v63  }
0x38: {  	_ =	swait.ge [sflag:s14], $0x4000  }
0x39: {  	[sflag:s14] =	ssyncset.done $0x0  }
0x3a: {  	s26 =	sadd.s32 $0x100, s25;
	[sflag:s14] =	ssyncadd.s32 $0xFFFFC000  }
0x3b: {  	[tilespmem:s17], [sflag:$0x1] =	stream.indirect.gather [hbm4b:s4+s16], $0x80, s26, s16, $0xb8;
	[tilespmem:$0x1E400] =	vst v63  }
0x3c: {  	_ =	swait.ge [sflag:s20], $0x4000  }
0x3d: {  	[sflag:s20] =	ssyncset.done $0x0  }
.Ltmp0:
0x3e: {  	s26 =	sadd.s32 $0x1480, s25;
	[sflag:s20] =	ssyncadd.s32 $0xFFFFC000;
	(pc) =	sbr.rel @p0 .LBB2_2-.Ltmp0, $4  }
0x3f: {  	[spmem:s1] =	stream.indirect.scatter.add.f32 [tilespmem:s18], [sflag:$0x3], $0x80, s26, s16, $0xb8;
	[tilespmem:$0x1E400] =	vst v63  }
0x40: {  	_ =	swait.ge [sflag:s14], $0x4000  }
0x41: {  	[sflag:s14] =	ssyncset.done $0x0  }
0x42: {  	s25 =	sadd.s32 $0x180, s25;
	[sflag:s14] =	ssyncadd.s32 $0xFFFFC000  }
0x43: {  	[tilespmem:s18], [sflag:$0x2] =	stream.indirect.gather [hbm4b:s4+s16], $0x80, s25, s16, $0xb8;
	[tilespmem:$0x1E400] =	vst v63  }
0x44: {  	_ =	swait.ge [sflag:s19], $0x4000  }
0x45: {  	[sflag:s19] =	ssyncset.done $0x0  }
0x46: {  	[sflag:s19] =	ssyncadd.s32 $0xFFFFC000  }
0x47: {  	[spmem:s1] =	stream.indirect.scatter.add.f32 [tilespmem:s17], [sflag:$0x3], $0x80, s21, s16, $0xb8;
	[tilespmem:$0x1E400] =	vst v63  }
0x48: {  	_ =	swait.ge [sflag:s14], $0x4000  }
0x49: {  	[sflag:s14] =	ssyncset.done $0x0  }
0x4a: {  	[sflag:s14] =	ssyncadd.s32 $0xFFFFC000  }
0x4b: {  	_ =	swait.ge [sflag:s20], $0x4000  }
0x4c: {  	[sflag:s20] =	ssyncset.done $0x0  }
0x4d: {  	[sflag:s20] =	ssyncadd.s32 $0xFFFFC000  }
0x4e: {  	[spmem:s1] =	stream.indirect.scatter.add.f32 [tilespmem:s18], [sflag:$0x3], $0x80, s22, s16, $0xb8;
	[tilespmem:$0x1E400] =	vst v63  }
0x4f: {  	_ =	swait.ge [sflag:s14], $0x4000  }
0x50: {  	[sflag:s14] =	ssyncset.done $0x0  }
0x51: {  	s24 =	simm.s32 $0x0;
	[sflag:s14] =	ssyncadd.s32 $0xFFFFC000  }
0x52: {  	[tilespmem:s24], [sflag:$0x3] =	stream.linear.gather [hbm4b:s9+s24], $0x1400, $0x38;
	[tilespmem:$0x1E400] =	vst v63  }
0x53: {  	_ =	swait.ge [sflag:s14], $0x1400  }
0x54: {  	[sflag:s14] =	ssyncset.done $0x0  }
0x55: {  	[sflag:s14] =	ssyncadd.s32 $0xFFFFEC00  }
0x56: {  	[tilespmem:s15], [sflag:$0x3] =	stream.linear.gather [hbm4b:s10+s24], $0x1400, $0x38;
	[tilespmem:$0x1E400] =	vst v63  }
0x57: {  	_ =	swait.ge [sflag:s14], $0x1400  }
0x58: {  	[sflag:s14] =	ssyncset.done $0x0  }
0x59: {  	[sflag:s14] =	ssyncadd.s32 $0xFFFFEC00  }
0x5a: {  	[tilespmem:s17], [sflag:$0x1] =	stream.indirect.gather [hbm4b:s4+s16], $0x80, s24, s16, $0xb8;
	[tilespmem:$0x1E400] =	vst v63  }
0x5b: {  	_ = 	snop  }
0x5c: {  	[tilespmem:s18], [sflag:$0x2] =	stream.indirect.gather [hbm4b:s4+s16], $0x80, s16, s16, $0xb8;
	[tilespmem:$0x1E400] =	vst v63  }
0x5d: {  	_ =	swait.ge [sflag:s19], $0x4000  }
0x5e: {  	[sflag:s19] =	ssyncset.done $0x0  }
0x5f: {  	s29 =	simm.s32 $0x1400;
	[sflag:s19] =	ssyncadd.s32 $0xFFFFC000  }
0x60: {  	[spmem:s1] =	stream.indirect.scatter.add.f32 [tilespmem:s17], [sflag:$0x3], $0x80, s29, s16, $0xb8;
	[tilespmem:$0x1E400] =	vst v63  }
0x61: {  	_ =	swait.ge [sflag:s14], $0x4000  }
0x62: {  	[sflag:s14] =	ssyncset.done $0x0  }
0x63: {  	s30 =	simm.s32 $0x100;
	[sflag:s14] =	ssyncadd.s32 $0xFFFFC000  }
0x64: {  	[tilespmem:s17], [sflag:$0x1] =	stream.indirect.gather [hbm4b:s4+s16], $0x80, s30, s16, $0xb8;
	[tilespmem:$0x1E400] =	vst v63  }
0x65: {  	_ =	swait.ge [sflag:s20], $0x4000  }
0x66: {  	[sflag:s20] =	ssyncset.done $0x0  }
0x67: {  	s31 =	simm.s32 $0x1480;
	[sflag:s20] =	ssyncadd.s32 $0xFFFFC000  }
0x68: {  	[spmem:s1] =	stream.indirect.scatter.add.f32 [tilespmem:s18], [sflag:$0x3], $0x80, s31, s16, $0xb8;
	[tilespmem:$0x1E400] =	vst v63  }
0x69: {  	_ =	swait.ge [sflag:s14], $0x4000  }
0x6a: {  	[sflag:s14] =	ssyncset.done $0x0  }
0x6b: {  	s25 =	simm.s32 $0x180;
	s24 =	simm.s32 $0x400;
	[sflag:s14] =	ssyncadd.s32 $0xFFFFC000  }
.LBB2_4:
0x6c: {  	[tilespmem:s18], [sflag:$0x2] =	stream.indirect.gather [hbm4b:s4+s16], $0x80, s25, s16, $0xb8;
	[tilespmem:$0x1E400] =	vst v63  }
0x6d: {  	s25 =	smov.u32 s24  }
0x6e: {  	p0 =	sne.s32 s24, $0x4800;
	s24 =	sadd.s32 $0x400, s24;
	_ =	swait.ge [sflag:s19], $0x4000  }
0x6f: {  	s25 =	sshra.s32 s25, $0x2;
	[sflag:s19] =	ssyncset.done $0x0  }
0x70: {  	s26 =	sadd.s32 $0x1400, s25;
	[sflag:s19] =	ssyncadd.s32 $0xFFFFC000  }
0x71: {  	[spmem:s1] =	stream.indirect.scatter.add.f32 [tilespmem:s17], [sflag:$0x3], $0x80, s26, s16, $0xb8;
	[tilespmem:$0x1E400] =	vst v63  }
0x72: {  	_ =	swait.ge [sflag:s14], $0x4000  }
0x73: {  	[sflag:s14] =	ssyncset.done $0x0  }
0x74: {  	s26 =	sadd.s32 $0x100, s25;
	[sflag:s14] =	ssyncadd.s32 $0xFFFFC000  }
0x75: {  	[tilespmem:s17], [sflag:$0x1] =	stream.indirect.gather [hbm4b:s4+s16], $0x80, s26, s16, $0xb8;
	[tilespmem:$0x1E400] =	vst v63  }
0x76: {  	_ =	swait.ge [sflag:s20], $0x4000  }
0x77: {  	[sflag:s20] =	ssyncset.done $0x0  }
.Ltmp1:
0x78: {  	s26 =	sadd.s32 $0x1480, s25;
	[sflag:s20] =	ssyncadd.s32 $0xFFFFC000;
	(pc) =	sbr.rel @p0 .LBB2_4-.Ltmp1, $4  }
0x79: {  	[spmem:s1] =	stream.indirect.scatter.add.f32 [tilespmem:s18], [sflag:$0x3], $0x80, s26, s16, $0xb8;
	[tilespmem:$0x1E400] =	vst v63  }
0x7a: {  	_ =	swait.ge [sflag:s14], $0x4000  }
0x7b: {  	[sflag:s14] =	ssyncset.done $0x0  }
0x7c: {  	s25 =	sadd.s32 $0x180, s25;
	[sflag:s14] =	ssyncadd.s32 $0xFFFFC000  }
0x7d: {  	[tilespmem:s18], [sflag:$0x2] =	stream.indirect.gather [hbm4b:s4+s16], $0x80, s25, s16, $0xb8;
	[tilespmem:$0x1E400] =	vst v63  }
0x7e: {  	_ =	swait.ge [sflag:s19], $0x4000  }
0x7f: {  	[sflag:s19] =	ssyncset.done $0x0  }
0x80: {  	[sflag:s19] =	ssyncadd.s32 $0xFFFFC000  }
0x81: {  	[spmem:s1] =	stream.indirect.scatter.add.f32 [tilespmem:s17], [sflag:$0x3], $0x80, s21, s16, $0xb8;
	[tilespmem:$0x1E400] =	vst v63  }
0x82: {  	_ =	swait.ge [sflag:s14], $0x4000  }
0x83: {  	[sflag:s14] =	ssyncset.done $0x0  }
0x84: {  	[sflag:s14] =	ssyncadd.s32 $0xFFFFC000  }
0x85: {  	_ =	swait.ge [sflag:s20], $0x4000  }
0x86: {  	[sflag:s20] =	ssyncset.done $0x0  }
0x87: {  	[sflag:s20] =	ssyncadd.s32 $0xFFFFC000  }
0x88: {  	[spmem:s1] =	stream.indirect.scatter.add.f32 [tilespmem:s18], [sflag:$0x3], $0x80, s22, s16, $0xb8;
	[tilespmem:$0x1E400] =	vst v63  }
0x89: {  	_ =	swait.ge [sflag:s14], $0x4000  }
0x8a: {  	s23 =	sadd.s32 $0x1, s23;
	[sflag:s14] =	ssyncset.done $0x0  }
0x8b: {  	p0 =	sne.s32 s23, s12;
	[sflag:s14] =	ssyncadd.s32 $0xFFFFC000  }
.Ltmp2:
0x8c: {  	[bflag:$0x0] =	sbarrier.arrive $0xFFFF;
	(pc) =	sbr.rel @p0 .LBB2_1-.Ltmp2, $4  }
0x8d: {  	[hbm:s11], [sflag:s6] =	dma.local [spmem:s13], $0x2780  }
0x8e: {  	_ =	swait.ge [sflag:s14], $0x2780  }
0x8f: {  	[sflag:s14] =	ssyncset.done $0x0  }
0x90: {  	[sflag:s14] =	ssyncadd.s32 $0xFFFFD880  }
0x91: {  	_ =	sfence.sel $0x180000  }
0x92: {  	[bflag:$0x0] =	sbarrier.arrive $0xFFFF  }
0x93: {  	p0 =	sne.s32 s2, $0x0;
	_ =	strace $0x9000004A  }
0x94: {  	s0 =	sadd.s32 @!p0 $0x100000, s0;
	[bflag:$0x2] =	sbarrier.arrive $0xFFFF  }
0x95: {  	[sflag:s0] =	ssyncadd.tile.s32 @!p0 $0x1;
	_ =	shalt  }
.Lfunc_end2:
_tile_overlayer_lowered:
.L_overlay_start_2:
0x96: {  	(tag) =	ssettag $0x2  }
0x97: {  	s0 =	rddreg [dreg:$0x0];
	s2 =	stileid.u32  }
0x98: {  	s1 =	rddreg [dreg:$0x1];
	p0 =	sne.s32 s2, $0x0  }
0x99: {  	s3 =	rddreg [dreg:$0x2];
	[bflag:$0x3] =	sbarrier.arrive $0xFFFF;
	s2 =	simm.s32 @!p0 $0x1C03  }
0x9a: {  	[timem:s3], [sflag:s2] =	dma.local @!p0 [hbm:s0], s1  }
0x9b: {  	s0 =	simm.s32 @!p0 $0x3  }
0x9c: {  	_ =	swait.ge @!p0 [sflag:s0], s1  }
0x9d: {  	s1 =	ssub.s32 @!p0 $0x0, s1;
	[sflag:s0] =	ssyncset.done @!p0 $0x0  }
0x9e: {  	[sflag:s0] =	ssyncadd.s32 @!p0 s1  }
0x9f: {  	[bflag:$0x3] =	sbarrier.arrive $0xFFFF  }
0xa0: {  	_ =	shalt  }

// kernel: kernel.14.cloned.1.call-start
scs
__scs_entry_jumppad:
0x0: {  	(pc) =	sbr.rel $0x88, $3  }
0x1: {  	(tag) =	ssettag $0x0;
	lr =	simm.s32 $0x1  }
0x2: {  	[smem:$0x3F99] =	sst lr;
	_ =	strace $0xD0000000  }
0x3: {  	_ = 	snop  }
0x4: {  	_ = 	snop  }
0x5: {  	_ = 	snop  }
0x6: {  	_ = 	snop  }
0x7: {  	_ = 	snop  }
__scs_overlays_trampoline_lowered:
0x8: {  	[smem:$0x3FA8] =	sst s0  }
0x9: {  	[smem:$0x3FA9] =	sst s1  }
0xa: {  	[smem:$0x3FAA] =	sst s2  }
0xb: {  	[smem:$0x3FAB] =	sst s3  }
0xc: {  	[smem:$0x3FAC] =	sst s4  }
0xd: {  	[smem:$0x3FAD] =	sst s5  }
0xe: {  	[smem:$0x3FAE] =	sst s6  }
0xf: {  	[smem:$0x3FAF] =	sst s7  }
0x10: {  	[smem:$0x3FB0] =	sst s8  }
0x11: {  	[smem:$0x3FB1] =	sst s9;
	s0 =	simm.s32 @!p0 $0x0  }
0x12: {  	s1 =	sld [smem:$0x3F97];
	s0 =	simm.s32 @p0 $0x1  }
0x13: {  	[smem:$0x3FB2] =	sst s0;
	s0 =	simm.s32 @!p1 $0x0  }
0x14: {  	s2 =	sld [smem:$0x3F96];
	s0 =	simm.s32 @p1 $0x1  }
0x15: {  	[smem:$0x3FB3] =	sst s0;
	s0 =	simm.s32 @!p2 $0x0  }
0x16: {  	s3 =	sld [smem:$0x3FDB];
	s0 =	simm.s32 @p2 $0x1  }
0x17: {  	s4 =	simm.s32 $0x1BF5;
	[smem:$0x3FB5] =	sst s0  }
0x18: {  	s0 =	sld [smem:$0x3F98];
	_ =	swait.ge [sflag:s4], $0x0  }
0x19: {  	s7 =	sld [smem:$0x3F99]  }
0x1a: {  	s8 =	sadd.s32 $0xFFFFE003, lr  }
0x1b: {  	s9 =	sadd.s32 $0xFFFFFEF7, lr;
	s5 =	simm.s32 $0xFFFFFFFF;
	p2 =	slt.u32 s8, $0xFFFFF086  }
0x1c: {  	p1 =	slt.u32 s9, $0xF7A;
	s5 =	simm.s32 @!p2 $0x0  }
0x1d: {  	s5 =	simm.s32 @p1 $0x1;
	p0 =	seq.s32 s7, s2  }
0x1e: {  	s7 =	smul.u32 @!p0 $0xF7A, s2;
	p2 =	seq.s32 @!p0 s5, $0x0  }
0x1f: {  	s9 =	smul.u32 $0xF7A, s1;
	s8 =	simm.s32 @!p0 $0x1BF5;
	p2 =	por !p2, p0  }
0x20: {  	[sflag:s8] =	ssyncset.s32 @!p0 $0xFFFFF086;
	s6 =	sadd.s32 @!p0 s3, s7;
	s7 =	simm.s32 @!p0 $0x108  }
0x21: {  	s3 =	sadd.s32 s3, s9;
	s6 =	sadd.s32 @!p0 $0x88, s6;
	s7 =	simm.s32 @p2 $0x1082  }
0x22: {  	[simem:s7], [sflag:s8] =	dma.local @!p0 [hbm:s6], $0xF7A  }
0x23: {  	s9 =	sor.u32 $0xD0000000, s2;
	s6 =	simm.s32 $0x108;
	_ =	swait.ge @!p0 [sflag:s8], $0x0  }
0x24: {  	s3 =	sadd.s32 $0x88, s3;
	s6 =	simm.s32 @!p1 $0x1082;
	[sflag:s4] =	ssyncset.s32 $0xFFFFF086  }
0x25: {  	[simem:s6], [sflag:s4] =	dma.local [hbm:s3], $0xF7A  }
0x26: {  	[smem:$0x3F99] =	sst s1;
	(tag) =	ssettag s2;
	_ =	strace s9  }
0x27: {  	s1 =	sld [smem:$0x3FA9]  }
0x28: {  	s2 =	sld [smem:$0x3FAA]  }
0x29: {  	s4 =	sld [smem:$0x3FAC]  }
0x2a: {  	p0 =	seq.s32 s5, $0x0;
	s5 =	sld [smem:$0x3FAD]  }
0x2b: {  	s6 =	sld [smem:$0x3FAE]  }
0x2c: {  	s7 =	sld [smem:$0x3FAF]  }
0x2d: {  	s3 =	simm.s32 $0x108;
	s8 =	sld [smem:$0x3FB0]  }
0x2e: {  	s3 =	simm.s32 @!p0 $0x1082;
	s9 =	sld [smem:$0x3FB1]  }
0x2f: {  	lr =	sadd.s32 s0, s3;
	s0 =	sld [smem:$0x3FA8]  }
0x30: {  	s3 =	sld [smem:$0x3FAB]  }
0x31: {  	[smem:$0x3FB4] =	sst s10  }
0x32: {  	s10 =	sld [smem:$0x3FB2];
	_ =	sdelay $0x3  }
0x33: {  	p0 =	seq.s32 s10, $0x1;
	s10 =	sld [smem:$0x3FB4];
	_ =	sdelay $0x3  }
0x34: {  	[smem:$0x3FB4] =	sst s10  }
0x35: {  	s10 =	sld [smem:$0x3FB3];
	_ =	sdelay $0x3  }
0x36: {  	p1 =	seq.s32 s10, $0x1;
	s10 =	sld [smem:$0x3FB4];
	_ =	sdelay $0x3  }
0x37: {  	[smem:$0x3FB4] =	sst s10  }
0x38: {  	s10 =	sld [smem:$0x3FB5]  }
0x39: {  	_ = 	snop;
	(pc) =	sbr.ind lr, $3  }
0x3a: {  	_ = 	snop  }
0x3b: {  	_ = 	snop  }
0x3c: {  	p2 =	seq.s32 s10, $0x1;
	s10 =	sld [smem:$0x3FB4]  }
0x3d: {  	_ =	shalt  }
0x3e: {  	_ =	shalt  }
0x3f: {  	_ =	shalt  }
0x40: {  	_ =	shalt  }
0x41: {  	_ =	shalt  }
0x42: {  	_ =	shalt  }
0x43: {  	_ =	shalt  }
0x44: {  	_ =	shalt  }
0x45: {  	_ =	shalt  }
0x46: {  	_ =	shalt  }
0x47: {  	_ =	shalt  }
0x48: {  	_ =	shalt  }
0x49: {  	_ =	shalt  }
0x4a: {  	_ =	shalt  }
0x4b: {  	_ =	shalt  }
0x4c: {  	_ =	shalt  }
0x4d: {  	_ =	shalt  }
0x4e: {  	_ =	shalt  }
0x4f: {  	_ =	shalt  }
0x50: {  	_ =	shalt  }
0x51: {  	_ =	shalt  }
0x52: {  	_ =	shalt  }
0x53: {  	_ =	shalt  }
0x54: {  	_ =	shalt  }
0x55: {  	_ =	shalt  }
0x56: {  	_ =	shalt  }
0x57: {  	_ =	shalt  }
0x58: {  	_ =	shalt  }
0x59: {  	_ =	shalt  }
0x5a: {  	_ =	shalt  }
0x5b: {  	_ =	shalt  }
0x5c: {  	_ =	shalt  }
0x5d: {  	_ =	shalt  }
0x5e: {  	_ =	shalt  }
0x5f: {  	_ =	shalt  }
0x60: {  	_ =	shalt  }
0x61: {  	_ =	shalt  }
0x62: {  	_ =	shalt  }
0x63: {  	_ =	shalt  }
0x64: {  	_ =	shalt  }
0x65: {  	_ =	shalt  }
0x66: {  	_ =	shalt  }
0x67: {  	_ =	shalt  }
0x68: {  	_ =	shalt  }
0x69: {  	_ =	shalt  }
0x6a: {  	_ =	shalt  }
0x6b: {  	_ =	shalt  }
0x6c: {  	_ =	shalt  }
0x6d: {  	_ =	shalt  }
0x6e: {  	_ =	shalt  }
0x6f: {  	_ =	shalt  }
0x70: {  	_ =	shalt  }
0x71: {  	_ =	shalt  }
0x72: {  	_ =	shalt  }
0x73: {  	_ =	shalt  }
0x74: {  	_ =	shalt  }
0x75: {  	_ =	shalt  }
0x76: {  	_ =	shalt  }
0x77: {  	_ =	shalt  }
0x78: {  	_ =	shalt  }
0x79: {  	_ =	shalt  }
0x7a: {  	_ =	shalt  }
0x7b: {  	_ =	shalt  }
0x7c: {  	_ =	shalt  }
0x7d: {  	_ =	shalt  }
0x7e: {  	_ =	shalt  }
0x7f: {  	_ =	shalt  }
0x80: {  	_ =	shalt  }
0x81: {  	_ =	shalt  }
0x82: {  	_ =	shalt  }
0x83: {  	_ =	shalt  }
0x84: {  	_ =	shalt  }
0x85: {  	_ =	shalt  }
0x86: {  	_ =	shalt  }
0x87: {  	_ =	shalt  }
.Lfunc_end0:
.L_simem_size_0:
called_computation.2_lowered:
.L_overlay_start_0:
0x88: {  	s2 =	sld [smem:$0x3FD9]  }
0x89: {  	s3 =	sld [smem:$0x3FFE];
	_ =	sdelay $0x1  }
0x8a: {  	s1 =	srdreg.scid  }
0x8b: {  	s0 =	sand.u32 $0x1, s1  }
0x8c: {  	s17 =	sshll.u32 s0, $0xA;
	s2 =	sadd.s32 s3, s2  }
0x8d: {  	s2 =	sadd.s32 s2, s17  }
0x8e: {  	[smem:$0x3FC0] =	sst s2  }
0x8f: {  	_ = 	snop  }
0x90: {  	s2 =	sld [smem:$0x3FD0];
	(tm) =	ssettm $0x1  }
0x91: {  	s18 =	sld [smem:$0x3FFB];
	_ =	sdelay $0x3  }
0x92: {  	_ =	strace s18  }
0x93: {  	s3 =	sld [smem:$0x3FFC];
	_ =	sdelay $0x3  }
0x94: {  	_ =	strace s3  }
0x95: {  	s3 =	sld [smem:$0x3FFD];
	_ =	sdelay $0x3  }
0x96: {  	_ =	strace s3  }
0x97: {  	_ =	strace $0x8FFFFFFF  }
0x98: {  	s19 =	sld [smem:$0x3FDB];
	_ =	sdelay $0x1  }
0x99: {  	s4 =	simm.s32 $_scs_section_size  }
0x9a: {  	s5 =	simm.s32 $_size__tile_overlayer_lowered;
	s6 =	simm.s32 $_tile_overlayer_lowered  }
0x9b: {  	s22 =	simm.s32 $0x1BFF;
	s21 =	sshll.u32 s6, $0x1;
	s3 =	sadd.s32 s4, s19  }
0x9c: {  	s7 =	simm.s32 $0x0;
	s20 =	sshll.u32 s5, $0x1;
	s5 =	sadd.s32 s21, s3  }
0x9d: {  	[timem:s7], [sflag:s22] =	dma.local [hbm:s5], s20  }
0x9e: {  	_ =	swait.ge [sflag:s22], s20  }
0x9f: {  	s4 =	ssub.s32 $0x0, s20;
	[sflag:s22] =	ssyncset.done $0x0  }
0xa0: {  	[sflag:s22] =	ssyncadd.s32 s4;
	_ =	sdelay $0x1  }
0xa1: {  	s23 =	simm.s32 $0x1B8B  }
0xa2: {  	_ =	swait.ge [sflag:s23], $0x1  }
0xa3: {  	[sflag:s23] =	ssyncset.done $0x0  }
0xa4: {  	s25 =	simm.s32 $0x1B8E;
	s24 =	sld [smem:$0x3FFE];
	[sflag:s23] =	ssyncadd.s32 $0xFFFFFFFF  }
0xa5: {  	s26 =	simm.s32 $execute0_lowered;
	[smem:$0x3FD2] =	sst s25  }
0xa6: {  	s5 =	sshll.u32 s26, $0x1;
	_ =	strace $0x8000004C;
	[dreg:$0x1] =	wrdreg $0xFFFFFFFF  }
0xa7: {  	s28 =	simm.s32 $_size_execute0_lowered;
	s3 =	sadd.s32 s3, s5;
	[dreg:$0x0] =	wrdreg $0x0  }
0xa8: {  	s5 =	sshll.u32 s28, $0x1;
	[dreg:$0x2] =	wrdreg s3  }
0xa9: {  	[dreg:$0x3] =	wrdreg s5  }
0xaa: {  	[dreg:$0x4] =	wrdreg $0xC0  }
0xab: {  	_ =	task [dreg:s7], $0x5FFFF  }
0xac: {  	[dreg:$0x1] =	wrdreg $0xFFFFFFFF  }
0xad: {  	[dreg:$0x0] =	wrdreg $0x60  }
0xae: {  	[dreg:$0x2] =	wrdreg s2  }
0xaf: {  	[dreg:$0x3] =	wrdreg s24  }
0xb0: {  	[dreg:$0x4] =	wrdreg $0x48000  }
0xb1: {  	[dreg:$0x5] =	wrdreg $0x9  }
0xb2: {  	_ =	task.clear_ibuf [dreg:s7], $0x6FFFF;
	_ =	strace $0x9000004C  }
0xb3: {  	s29 =	simm.s32 $0x9;
	_ =	strace $0x8000004E  }
0xb4: {  	_ =	swait.ge [sflag:s29], $0x1  }
0xb5: {  	[sflag:s29] =	ssyncadd.s32 $0xFFFFFFFF  }
0xb6: {  	_ =	strace $0x9000004E  }
0xb7: {  	_ =	sfence  }
0xb8: {  	s30 =	sld [smem:$0x0];
	_ =	sdelay $0x2  }
0xb9: {  	s31 =	sshll.u32 s1, $0xD;
	s1 =	sshrl.u32 s1, $0x2  }
0xba: {  	s3 =	sand.u32 $0x4000, s31;
	s1 =	sadd.s32 s1, s30  }
0xbb: {  	s0 =	sor.u32 s3, s0;
	s1 =	sshll.u32 s1, $0x11  }
0xbc: {  	s0 =	sor.u32 s1, s0  }
0xbd: {  	s0 =	sadd.s32 $0x8F2B, s0  }
0xbe: {  	[sflag:s0] =	ssyncadd.remote.s32 $0x1  }
0xbf: {  	_ =	sfence.sel $0xFFFF  }
0xc0: {  	[dreg:$0x0] =	wrdreg $0xFFFFFFFF;
	(pc) =	sbr.abs _section_cstart, $3  }
0xc1: {  	[dreg:$0x1] =	wrdreg $0xFFFFFFFF  }
0xc2: {  	_ =	task.clear_ibuf [dreg:s7], $0x2FFFF;
	_ =	strace $0x9FFFFFFF  }
0xc3: {  	(tm) =	ssettm $0x7FFFFFFF  }
tec
execute0_lowered:
.L_overlay_start_1:
0x0: {  	(tag) =	ssettag $0x1  }
0x1: {  	s1 =	rddreg [dreg:$0x0]  }
0x2: {  	s6 =	rddreg [dreg:$0x1]  }
0x3: {  	s3 =	rddreg [dreg:$0x2]  }
0x4: {  	s0 =	rddreg [dreg:$0x3];
	s5 =	srdreg.scid  }
0x5: {  	s2 =	stileid.u32;
	s4 =	simm.s32 $0x0;
	s16 =	simm.s32 $0x80  }
0x6: {  	s17 =	simm.s32 $0x2800;
	s18 =	simm.s32 $0x3800;
	s19 =	simm.s32 $0x1  }
0x7: {  	s20 =	simm.s32 $0x2;
	s21 =	simm.s32 $0x2700;
	s22 =	simm.s32 $0x2780  }
0x8: {  	s23 =	simm.s32 $0x0;
	s7 =	sand.u32 $0x1, s5;
	s8 =	smul.u32 $0x4F00, s2  }
0x9: {  	[smem:$0x7FF] =	sst s4;
	s10 =	sadd.s32 $0x15C00, s6;
	s11 =	sadd.s32 $0x1FC00, s6  }
0xa: {  	s5 =	sadd.s32 $0x1A00, s6;
	s9 =	smul.u32 $0x4F000, s7;
	s12 =	sshll.u32 s7, $0x4  }
0xb: {  	s30 =	sshll.u32 s2, $0x6;
	_ =	strace $0x8000004D;
	s12 =	sor.u32 s2, s12  }
0xc: {  	s7 =	ssub.s32 $0x2, s7;
	s9 =	sadd.s32 s8, s9;
	s29 =	smul.u32 $0x2800, s12  }
0xd: {  	s28 =	sshrl.u32 s7, $0x1;
	s12 =	smul.u32 $0x500, s12;
	s9 =	sshrl.u32 s9, $0x3  }
0xe: {  	s15 =	sadd.s32 s8, s3;
	s14 =	ssub.s32 s7, s28;
	s13 =	sadd.s32 s9, s6  }
0xf: {  	s6 =	sor.u32 $0x1C03, s30;
	s9 =	sshrl.u32 s29, $0x3;
	s7 =	sadd.s32 s10, s12  }
0x10: {  	s8 =	sadd.s32 s11, s12;
	s12 =	smax.u32 s14, $0x1;
	s31 =	sadd.s32 $0x280, s9  }
0x11: {  	s14 =	simm.s32 $0x3;
	s9 =	sadd.s32 s10, s31;
	s10 =	sadd.s32 s11, s31  }
0x12: {  	s11 =	sadd.s32 $0x29C00, s13;
	s13 =	sshrl.u32 s15, $0x3;
	s15 =	simm.s32 $0x1400  }
.LBB2_1:
0x13: {  	[spmem:s13], [sflag:s6] =	dma.local [hbm:s5], $0x9E0  }
0x14: {  	_ =	swait.ge [sflag:s14], $0x9E0  }
0x15: {  	[sflag:s14] =	ssyncset.done $0x0  }
0x16: {  	[sflag:s14] =	ssyncadd.s32 $0xFFFFF620  }
0x17: {  	[bflag:$0x0] =	sbarrier.arrive $0xFFFF  }
0x18: {  	[tilespmem:s4], [sflag:$0x3] =	stream.linear.gather [hbm4b:s7+s4], $0x1400, $0x38;
	[tilespmem:$0x9700] =	vst v63  }
0x19: {  	_ =	swait.ge [sflag:s14], $0x1400  }
0x1a: {  	[sflag:s14] =	ssyncset.done $0x0  }
0x1b: {  	[sflag:s14] =	ssyncadd.s32 $0xFFFFEC00  }
0x1c: {  	[tilespmem:s15], [sflag:$0x3] =	stream.linear.gather [hbm4b:s8+s4], $0x1400, $0x38;
	[tilespmem:$0x9700] =	vst v63  }
0x1d: {  	_ =	swait.ge [sflag:s14], $0x1400  }
0x1e: {  	[sflag:s14] =	ssyncset.done $0x0  }
0x1f: {  	[sflag:s14] =	ssyncadd.s32 $0xFFFFEC00  }
0x20: {  	[tilespmem:s17], [sflag:$0x1] =	stream.indirect.gather [hbm4b:s1+s16], $0x20, s4, s16, $0xb8;
	[tilespmem:$0x9700] =	vst v63  }
0x21: {  	_ = 	snop  }
0x22: {  	[tilespmem:s18], [sflag:$0x2] =	stream.indirect.gather [hbm4b:s1+s16], $0x20, s16, s16, $0xb8;
	[tilespmem:$0x9700] =	vst v63  }
0x23: {  	_ =	swait.ge [sflag:s19], $0x1000  }
0x24: {  	[sflag:s19] =	ssyncset.done $0x0  }
0x25: {  	s24 =	simm.s32 $0x1400;
	[sflag:s19] =	ssyncadd.s32 $0xFFFFF000  }
0x26: {  	[spmem:s3] =	stream.indirect.scatter.add.f32 [tilespmem:s17], [sflag:$0x3], $0x20, s24, s16, $0xb8;
	[tilespmem:$0x9700] =	vst v63  }
0x27: {  	_ =	swait.ge [sflag:s14], $0x1000  }
0x28: {  	[sflag:s14] =	ssyncset.done $0x0  }
0x29: {  	s30 =	simm.s32 $0x100;
	[sflag:s14] =	ssyncadd.s32 $0xFFFFF000  }
0x2a: {  	[tilespmem:s17], [sflag:$0x1] =	stream.indirect.gather [hbm4b:s1+s16], $0x20, s30, s16, $0xb8;
	[tilespmem:$0x9700] =	vst v63  }
0x2b: {  	_ =	swait.ge [sflag:s20], $0x1000  }
0x2c: {  	[sflag:s20] =	ssyncset.done $0x0  }
0x2d: {  	s31 =	simm.s32 $0x1480;
	[sflag:s20] =	ssyncadd.s32 $0xFFFFF000  }
0x2e: {  	[spmem:s3] =	stream.indirect.scatter.add.f32 [tilespmem:s18], [sflag:$0x3], $0x20, s31, s16, $0xb8;
	[tilespmem:$0x9700] =	vst v63  }
0x2f: {  	_ =	swait.ge [sflag:s14], $0x1000  }
0x30: {  	[sflag:s14] =	ssyncset.done $0x0  }
0x31: {  	s25 =	simm.s32 $0x180;
	s24 =	simm.s32 $0x400;
	[sflag:s14] =	ssyncadd.s32 $0xFFFFF000  }
.LBB2_2:
0x32: {  	[tilespmem:s18], [sflag:$0x2] =	stream.indirect.gather [hbm4b:s1+s16], $0x20, s25, s16, $0xb8;
	[tilespmem:$0x9700] =	vst v63  }
0x33: {  	s25 =	smov.u32 s24  }
0x34: {  	p0 =	sne.s32 s24, $0x4800;
	s24 =	sadd.s32 $0x400, s24;
	_ =	swait.ge [sflag:s19], $0x1000  }
0x35: {  	s25 =	sshra.s32 s25, $0x2;
	[sflag:s19] =	ssyncset.done $0x0  }
0x36: {  	s26 =	sadd.s32 $0x1400, s25;
	[sflag:s19] =	ssyncadd.s32 $0xFFFFF000  }
0x37: {  	[spmem:s3] =	stream.indirect.scatter.add.f32 [tilespmem:s17], [sflag:$0x3], $0x20, s26, s16, $0xb8;
	[tilespmem:$0x9700] =	vst v63  }
0x38: {  	_ =	swait.ge [sflag:s14], $0x1000  }
0x39: {  	[sflag:s14] =	ssyncset.done $0x0  }
0x3a: {  	s26 =	sadd.s32 $0x100, s25;
	[sflag:s14] =	ssyncadd.s32 $0xFFFFF000  }
0x3b: {  	[tilespmem:s17], [sflag:$0x1] =	stream.indirect.gather [hbm4b:s1+s16], $0x20, s26, s16, $0xb8;
	[tilespmem:$0x9700] =	vst v63  }
0x3c: {  	_ =	swait.ge [sflag:s20], $0x1000  }
0x3d: {  	[sflag:s20] =	ssyncset.done $0x0  }
.Ltmp0:
0x3e: {  	s26 =	sadd.s32 $0x1480, s25;
	[sflag:s20] =	ssyncadd.s32 $0xFFFFF000;
	(pc) =	sbr.rel @p0 .LBB2_2-.Ltmp0, $4  }
0x3f: {  	[spmem:s3] =	stream.indirect.scatter.add.f32 [tilespmem:s18], [sflag:$0x3], $0x20, s26, s16, $0xb8;
	[tilespmem:$0x9700] =	vst v63  }
0x40: {  	_ =	swait.ge [sflag:s14], $0x1000  }
0x41: {  	[sflag:s14] =	ssyncset.done $0x0  }
0x42: {  	s25 =	sadd.s32 $0x180, s25;
	[sflag:s14] =	ssyncadd.s32 $0xFFFFF000  }
0x43: {  	[tilespmem:s18], [sflag:$0x2] =	stream.indirect.gather [hbm4b:s1+s16], $0x20, s25, s16, $0xb8;
	[tilespmem:$0x9700] =	vst v63  }
0x44: {  	_ =	swait.ge [sflag:s19], $0x1000  }
0x45: {  	[sflag:s19] =	ssyncset.done $0x0  }
0x46: {  	[sflag:s19] =	ssyncadd.s32 $0xFFFFF000  }
0x47: {  	[spmem:s3] =	stream.indirect.scatter.add.f32 [tilespmem:s17], [sflag:$0x3], $0x20, s21, s16, $0xb8;
	[tilespmem:$0x9700] =	vst v63  }
0x48: {  	_ =	swait.ge [sflag:s14], $0x1000  }
0x49: {  	[sflag:s14] =	ssyncset.done $0x0  }
0x4a: {  	[sflag:s14] =	ssyncadd.s32 $0xFFFFF000  }
0x4b: {  	_ =	swait.ge [sflag:s20], $0x1000  }
0x4c: {  	[sflag:s20] =	ssyncset.done $0x0  }
0x4d: {  	[sflag:s20] =	ssyncadd.s32 $0xFFFFF000  }
0x4e: {  	[spmem:s3] =	stream.indirect.scatter.add.f32 [tilespmem:s18], [sflag:$0x3], $0x20, s22, s16, $0xb8;
	[tilespmem:$0x9700] =	vst v63  }
0x4f: {  	_ =	swait.ge [sflag:s14], $0x1000  }
0x50: {  	[sflag:s14] =	ssyncset.done $0x0  }
0x51: {  	s24 =	simm.s32 $0x0;
	[sflag:s14] =	ssyncadd.s32 $0xFFFFF000  }
0x52: {  	[tilespmem:s24], [sflag:$0x3] =	stream.linear.gather [hbm4b:s9+s24], $0x1400, $0x38;
	[tilespmem:$0x9700] =	vst v63  }
0x53: {  	_ =	swait.ge [sflag:s14], $0x1400  }
0x54: {  	[sflag:s14] =	ssyncset.done $0x0  }
0x55: {  	[sflag:s14] =	ssyncadd.s32 $0xFFFFEC00  }
0x56: {  	[tilespmem:s15], [sflag:$0x3] =	stream.linear.gather [hbm4b:s10+s24], $0x1400, $0x38;
	[tilespmem:$0x9700] =	vst v63  }
0x57: {  	_ =	swait.ge [sflag:s14], $0x1400  }
0x58: {  	[sflag:s14] =	ssyncset.done $0x0  }
0x59: {  	[sflag:s14] =	ssyncadd.s32 $0xFFFFEC00  }
0x5a: {  	[tilespmem:s17], [sflag:$0x1] =	stream.indirect.gather [hbm4b:s1+s16], $0x20, s24, s16, $0xb8;
	[tilespmem:$0x9700] =	vst v63  }
0x5b: {  	_ = 	snop  }
0x5c: {  	[tilespmem:s18], [sflag:$0x2] =	stream.indirect.gather [hbm4b:s1+s16], $0x20, s16, s16, $0xb8;
	[tilespmem:$0x9700] =	vst v63  }
0x5d: {  	_ =	swait.ge [sflag:s19], $0x1000  }
0x5e: {  	[sflag:s19] =	ssyncset.done $0x0  }
0x5f: {  	s29 =	simm.s32 $0x1400;
	[sflag:s19] =	ssyncadd.s32 $0xFFFFF000  }
0x60: {  	[spmem:s3] =	stream.indirect.scatter.add.f32 [tilespmem:s17], [sflag:$0x3], $0x20, s29, s16, $0xb8;
	[tilespmem:$0x9700] =	vst v63  }
0x61: {  	_ =	swait.ge [sflag:s14], $0x1000  }
0x62: {  	[sflag:s14] =	ssyncset.done $0x0  }
0x63: {  	s30 =	simm.s32 $0x100;
	[sflag:s14] =	ssyncadd.s32 $0xFFFFF000  }
0x64: {  	[tilespmem:s17], [sflag:$0x1] =	stream.indirect.gather [hbm4b:s1+s16], $0x20, s30, s16, $0xb8;
	[tilespmem:$0x9700] =	vst v63  }
0x65: {  	_ =	swait.ge [sflag:s20], $0x1000  }
0x66: {  	[sflag:s20] =	ssyncset.done $0x0  }
0x67: {  	s31 =	simm.s32 $0x1480;
	[sflag:s20] =	ssyncadd.s32 $0xFFFFF000  }
0x68: {  	[spmem:s3] =	stream.indirect.scatter.add.f32 [tilespmem:s18], [sflag:$0x3], $0x20, s31, s16, $0xb8;
	[tilespmem:$0x9700] =	vst v63  }
0x69: {  	_ =	swait.ge [sflag:s14], $0x1000  }
0x6a: {  	[sflag:s14] =	ssyncset.done $0x0  }
0x6b: {  	s25 =	simm.s32 $0x180;
	s24 =	simm.s32 $0x400;
	[sflag:s14] =	ssyncadd.s32 $0xFFFFF000  }
.LBB2_4:
0x6c: {  	[tilespmem:s18], [sflag:$0x2] =	stream.indirect.gather [hbm4b:s1+s16], $0x20, s25, s16, $0xb8;
	[tilespmem:$0x9700] =	vst v63  }
0x6d: {  	s25 =	smov.u32 s24  }
0x6e: {  	p0 =	sne.s32 s24, $0x4800;
	s24 =	sadd.s32 $0x400, s24;
	_ =	swait.ge [sflag:s19], $0x1000  }
0x6f: {  	s25 =	sshra.s32 s25, $0x2;
	[sflag:s19] =	ssyncset.done $0x0  }
0x70: {  	s26 =	sadd.s32 $0x1400, s25;
	[sflag:s19] =	ssyncadd.s32 $0xFFFFF000  }
0x71: {  	[spmem:s3] =	stream.indirect.scatter.add.f32 [tilespmem:s17], [sflag:$0x3], $0x20, s26, s16, $0xb8;
	[tilespmem:$0x9700] =	vst v63  }
0x72: {  	_ =	swait.ge [sflag:s14], $0x1000  }
0x73: {  	[sflag:s14] =	ssyncset.done $0x0  }
0x74: {  	s26 =	sadd.s32 $0x100, s25;
	[sflag:s14] =	ssyncadd.s32 $0xFFFFF000  }
0x75: {  	[tilespmem:s17], [sflag:$0x1] =	stream.indirect.gather [hbm4b:s1+s16], $0x20, s26, s16, $0xb8;
	[tilespmem:$0x9700] =	vst v63  }
0x76: {  	_ =	swait.ge [sflag:s20], $0x1000  }
0x77: {  	[sflag:s20] =	ssyncset.done $0x0  }
.Ltmp1:
0x78: {  	s26 =	sadd.s32 $0x1480, s25;
	[sflag:s20] =	ssyncadd.s32 $0xFFFFF000;
	(pc) =	sbr.rel @p0 .LBB2_4-.Ltmp1, $4  }
0x79: {  	[spmem:s3] =	stream.indirect.scatter.add.f32 [tilespmem:s18], [sflag:$0x3], $0x20, s26, s16, $0xb8;
	[tilespmem:$0x9700] =	vst v63  }
0x7a: {  	_ =	swait.ge [sflag:s14], $0x1000  }
0x7b: {  	[sflag:s14] =	ssyncset.done $0x0  }
0x7c: {  	s25 =	sadd.s32 $0x180, s25;
	[sflag:s14] =	ssyncadd.s32 $0xFFFFF000  }
0x7d: {  	[tilespmem:s18], [sflag:$0x2] =	stream.indirect.gather [hbm4b:s1+s16], $0x20, s25, s16, $0xb8;
	[tilespmem:$0x9700] =	vst v63  }
0x7e: {  	_ =	swait.ge [sflag:s19], $0x1000  }
0x7f: {  	[sflag:s19] =	ssyncset.done $0x0  }
0x80: {  	[sflag:s19] =	ssyncadd.s32 $0xFFFFF000  }
0x81: {  	[spmem:s3] =	stream.indirect.scatter.add.f32 [tilespmem:s17], [sflag:$0x3], $0x20, s21, s16, $0xb8;
	[tilespmem:$0x9700] =	vst v63  }
0x82: {  	_ =	swait.ge [sflag:s14], $0x1000  }
0x83: {  	[sflag:s14] =	ssyncset.done $0x0  }
0x84: {  	[sflag:s14] =	ssyncadd.s32 $0xFFFFF000  }
0x85: {  	_ =	swait.ge [sflag:s20], $0x1000  }
0x86: {  	[sflag:s20] =	ssyncset.done $0x0  }
0x87: {  	[sflag:s20] =	ssyncadd.s32 $0xFFFFF000  }
0x88: {  	[spmem:s3] =	stream.indirect.scatter.add.f32 [tilespmem:s18], [sflag:$0x3], $0x20, s22, s16, $0xb8;
	[tilespmem:$0x9700] =	vst v63  }
0x89: {  	_ =	swait.ge [sflag:s14], $0x1000  }
0x8a: {  	s23 =	sadd.s32 $0x1, s23;
	[sflag:s14] =	ssyncset.done $0x0  }
0x8b: {  	p0 =	sne.s32 s23, s12;
	[sflag:s14] =	ssyncadd.s32 $0xFFFFF000  }
.Ltmp2:
0x8c: {  	[bflag:$0x0] =	sbarrier.arrive $0xFFFF;
	(pc) =	sbr.rel @p0 .LBB2_1-.Ltmp2, $4  }
0x8d: {  	[hbm:s11], [sflag:s6] =	dma.local [spmem:s13], $0x9E0  }
0x8e: {  	_ =	swait.ge [sflag:s14], $0x9E0  }
0x8f: {  	[sflag:s14] =	ssyncset.done $0x0  }
0x90: {  	[sflag:s14] =	ssyncadd.s32 $0xFFFFF620  }
0x91: {  	_ =	sfence.sel $0x180000  }
0x92: {  	[bflag:$0x0] =	sbarrier.arrive $0xFFFF  }
0x93: {  	p0 =	sne.s32 s2, $0x0;
	_ =	strace $0x9000004D  }
0x94: {  	s0 =	sadd.s32 @!p0 $0x100000, s0;
	[bflag:$0x2] =	sbarrier.arrive $0xFFFF  }
0x95: {  	[sflag:s0] =	ssyncadd.tile.s32 @!p0 $0x1;
	_ =	shalt  }
.Lfunc_end2:
_tile_overlayer_lowered:
.L_overlay_start_2:
0x96: {  	(tag) =	ssettag $0x2  }
0x97: {  	s0 =	rddreg [dreg:$0x0];
	s2 =	stileid.u32  }
0x98: {  	s1 =	rddreg [dreg:$0x1];
	p0 =	sne.s32 s2, $0x0  }
0x99: {  	s3 =	rddreg [dreg:$0x2];
	[bflag:$0x3] =	sbarrier.arrive $0xFFFF;
	s2 =	simm.s32 @!p0 $0x1C03  }
0x9a: {  	[timem:s3], [sflag:s2] =	dma.local @!p0 [hbm:s0], s1  }
0x9b: {  	s0 =	simm.s32 @!p0 $0x3  }
0x9c: {  	_ =	swait.ge @!p0 [sflag:s0], s1  }
0x9d: {  	s1 =	ssub.s32 @!p0 $0x0, s1;
	[sflag:s0] =	ssyncset.done @!p0 $0x0  }
0x9e: {  	[sflag:s0] =	ssyncadd.s32 @!p0 s1  }
0x9f: {  	[bflag:$0x3] =	sbarrier.arrive $0xFFFF  }
0xa0: {  	_ =	shalt  }

// kernel: kernel.8.cloned.1.call-start
scs
__scs_entry_jumppad:
0x0: {  	(pc) =	sbr.rel $0x88, $3  }
0x1: {  	(tag) =	ssettag $0x0;
	lr =	simm.s32 $0x1  }
0x2: {  	[smem:$0x3F99] =	sst lr;
	_ =	strace $0xD0000000  }
0x3: {  	_ = 	snop  }
0x4: {  	_ = 	snop  }
0x5: {  	_ = 	snop  }
0x6: {  	_ = 	snop  }
0x7: {  	_ = 	snop  }
__scs_overlays_trampoline_lowered:
0x8: {  	[smem:$0x3FA8] =	sst s0  }
0x9: {  	[smem:$0x3FA9] =	sst s1  }
0xa: {  	[smem:$0x3FAA] =	sst s2  }
0xb: {  	[smem:$0x3FAB] =	sst s3  }
0xc: {  	[smem:$0x3FAC] =	sst s4  }
0xd: {  	[smem:$0x3FAD] =	sst s5  }
0xe: {  	[smem:$0x3FAE] =	sst s6  }
0xf: {  	[smem:$0x3FAF] =	sst s7  }
0x10: {  	[smem:$0x3FB0] =	sst s8  }
0x11: {  	[smem:$0x3FB1] =	sst s9;
	s0 =	simm.s32 @!p0 $0x0  }
0x12: {  	s1 =	sld [smem:$0x3F97];
	s0 =	simm.s32 @p0 $0x1  }
0x13: {  	[smem:$0x3FB2] =	sst s0;
	s0 =	simm.s32 @!p1 $0x0  }
0x14: {  	s2 =	sld [smem:$0x3F96];
	s0 =	simm.s32 @p1 $0x1  }
0x15: {  	[smem:$0x3FB3] =	sst s0;
	s0 =	simm.s32 @!p2 $0x0  }
0x16: {  	s3 =	sld [smem:$0x3FDB];
	s0 =	simm.s32 @p2 $0x1  }
0x17: {  	s4 =	simm.s32 $0x1BF5;
	[smem:$0x3FB5] =	sst s0  }
0x18: {  	s0 =	sld [smem:$0x3F98];
	_ =	swait.ge [sflag:s4], $0x0  }
0x19: {  	s7 =	sld [smem:$0x3F99]  }
0x1a: {  	s8 =	sadd.s32 $0xFFFFE003, lr  }
0x1b: {  	s9 =	sadd.s32 $0xFFFFFEF7, lr;
	s5 =	simm.s32 $0xFFFFFFFF;
	p2 =	slt.u32 s8, $0xFFFFF086  }
0x1c: {  	p1 =	slt.u32 s9, $0xF7A;
	s5 =	simm.s32 @!p2 $0x0  }
0x1d: {  	s5 =	simm.s32 @p1 $0x1;
	p0 =	seq.s32 s7, s2  }
0x1e: {  	s7 =	smul.u32 @!p0 $0xF7A, s2;
	p2 =	seq.s32 @!p0 s5, $0x0  }
0x1f: {  	s9 =	smul.u32 $0xF7A, s1;
	s8 =	simm.s32 @!p0 $0x1BF5;
	p2 =	por !p2, p0  }
0x20: {  	[sflag:s8] =	ssyncset.s32 @!p0 $0xFFFFF086;
	s6 =	sadd.s32 @!p0 s3, s7;
	s7 =	simm.s32 @!p0 $0x108  }
0x21: {  	s3 =	sadd.s32 s3, s9;
	s6 =	sadd.s32 @!p0 $0x88, s6;
	s7 =	simm.s32 @p2 $0x1082  }
0x22: {  	[simem:s7], [sflag:s8] =	dma.local @!p0 [hbm:s6], $0xF7A  }
0x23: {  	s9 =	sor.u32 $0xD0000000, s2;
	s6 =	simm.s32 $0x108;
	_ =	swait.ge @!p0 [sflag:s8], $0x0  }
0x24: {  	s3 =	sadd.s32 $0x88, s3;
	s6 =	simm.s32 @!p1 $0x1082;
	[sflag:s4] =	ssyncset.s32 $0xFFFFF086  }
0x25: {  	[simem:s6], [sflag:s4] =	dma.local [hbm:s3], $0xF7A  }
0x26: {  	[smem:$0x3F99] =	sst s1;
	(tag) =	ssettag s2;
	_ =	strace s9  }
0x27: {  	s1 =	sld [smem:$0x3FA9]  }
0x28: {  	s2 =	sld [smem:$0x3FAA]  }
0x29: {  	s4 =	sld [smem:$0x3FAC]  }
0x2a: {  	p0 =	seq.s32 s5, $0x0;
	s5 =	sld [smem:$0x3FAD]  }
0x2b: {  	s6 =	sld [smem:$0x3FAE]  }
0x2c: {  	s7 =	sld [smem:$0x3FAF]  }
0x2d: {  	s3 =	simm.s32 $0x108;
	s8 =	sld [smem:$0x3FB0]  }
0x2e: {  	s3 =	simm.s32 @!p0 $0x1082;
	s9 =	sld [smem:$0x3FB1]  }
0x2f: {  	lr =	sadd.s32 s0, s3;
	s0 =	sld [smem:$0x3FA8]  }
0x30: {  	s3 =	sld [smem:$0x3FAB]  }
0x31: {  	[smem:$0x3FB4] =	sst s10  }
0x32: {  	s10 =	sld [smem:$0x3FB2];
	_ =	sdelay $0x3  }
0x33: {  	p0 =	seq.s32 s10, $0x1;
	s10 =	sld [smem:$0x3FB4];
	_ =	sdelay $0x3  }
0x34: {  	[smem:$0x3FB4] =	sst s10  }
0x35: {  	s10 =	sld [smem:$0x3FB3];
	_ =	sdelay $0x3  }
0x36: {  	p1 =	seq.s32 s10, $0x1;
	s10 =	sld [smem:$0x3FB4];
	_ =	sdelay $0x3  }
0x37: {  	[smem:$0x3FB4] =	sst s10  }
0x38: {  	s10 =	sld [smem:$0x3FB5]  }
0x39: {  	_ = 	snop;
	(pc) =	sbr.ind lr, $3  }
0x3a: {  	_ = 	snop  }
0x3b: {  	_ = 	snop  }
0x3c: {  	p2 =	seq.s32 s10, $0x1;
	s10 =	sld [smem:$0x3FB4]  }
0x3d: {  	_ =	shalt  }
0x3e: {  	_ =	shalt  }
0x3f: {  	_ =	shalt  }
0x40: {  	_ =	shalt  }
0x41: {  	_ =	shalt  }
0x42: {  	_ =	shalt  }
0x43: {  	_ =	shalt  }
0x44: {  	_ =	shalt  }
0x45: {  	_ =	shalt  }
0x46: {  	_ =	shalt  }
0x47: {  	_ =	shalt  }
0x48: {  	_ =	shalt  }
0x49: {  	_ =	shalt  }
0x4a: {  	_ =	shalt  }
0x4b: {  	_ =	shalt  }
0x4c: {  	_ =	shalt  }
0x4d: {  	_ =	shalt  }
0x4e: {  	_ =	shalt  }
0x4f: {  	_ =	shalt  }
0x50: {  	_ =	shalt  }
0x51: {  	_ =	shalt  }
0x52: {  	_ =	shalt  }
0x53: {  	_ =	shalt  }
0x54: {  	_ =	shalt  }
0x55: {  	_ =	shalt  }
0x56: {  	_ =	shalt  }
0x57: {  	_ =	shalt  }
0x58: {  	_ =	shalt  }
0x59: {  	_ =	shalt  }
0x5a: {  	_ =	shalt  }
0x5b: {  	_ =	shalt  }
0x5c: {  	_ =	shalt  }
0x5d: {  	_ =	shalt  }
0x5e: {  	_ =	shalt  }
0x5f: {  	_ =	shalt  }
0x60: {  	_ =	shalt  }
0x61: {  	_ =	shalt  }
0x62: {  	_ =	shalt  }
0x63: {  	_ =	shalt  }
0x64: {  	_ =	shalt  }
0x65: {  	_ =	shalt  }
0x66: {  	_ =	shalt  }
0x67: {  	_ =	shalt  }
0x68: {  	_ =	shalt  }
0x69: {  	_ =	shalt  }
0x6a: {  	_ =	shalt  }
0x6b: {  	_ =	shalt  }
0x6c: {  	_ =	shalt  }
0x6d: {  	_ =	shalt  }
0x6e: {  	_ =	shalt  }
0x6f: {  	_ =	shalt  }
0x70: {  	_ =	shalt  }
0x71: {  	_ =	shalt  }
0x72: {  	_ =	shalt  }
0x73: {  	_ =	shalt  }
0x74: {  	_ =	shalt  }
0x75: {  	_ =	shalt  }
0x76: {  	_ =	shalt  }
0x77: {  	_ =	shalt  }
0x78: {  	_ =	shalt  }
0x79: {  	_ =	shalt  }
0x7a: {  	_ =	shalt  }
0x7b: {  	_ =	shalt  }
0x7c: {  	_ =	shalt  }
0x7d: {  	_ =	shalt  }
0x7e: {  	_ =	shalt  }
0x7f: {  	_ =	shalt  }
0x80: {  	_ =	shalt  }
0x81: {  	_ =	shalt  }
0x82: {  	_ =	shalt  }
0x83: {  	_ =	shalt  }
0x84: {  	_ =	shalt  }
0x85: {  	_ =	shalt  }
0x86: {  	_ =	shalt  }
0x87: {  	_ =	shalt  }
.Lfunc_end0:
.L_simem_size_0:
called_computation_lowered:
.L_overlay_start_0:
0x88: {  	s2 =	sld [smem:$0x3FD9]  }
0x89: {  	s3 =	sld [smem:$0x3FFE];
	_ =	sdelay $0x1  }
0x8a: {  	s1 =	srdreg.scid  }
0x8b: {  	s0 =	sand.u32 $0x1, s1  }
0x8c: {  	s17 =	sshll.u32 s0, $0xA;
	s2 =	sadd.s32 s3, s2  }
0x8d: {  	s2 =	sadd.s32 s2, s17  }
0x8e: {  	[smem:$0x3FC0] =	sst s2  }
0x8f: {  	_ = 	snop  }
0x90: {  	s2 =	sld [smem:$0x3FD0];
	(tm) =	ssettm $0x1  }
0x91: {  	s18 =	sld [smem:$0x3FFB];
	_ =	sdelay $0x3  }
0x92: {  	_ =	strace s18  }
0x93: {  	s3 =	sld [smem:$0x3FFC];
	_ =	sdelay $0x3  }
0x94: {  	_ =	strace s3  }
0x95: {  	s3 =	sld [smem:$0x3FFD];
	_ =	sdelay $0x3  }
0x96: {  	_ =	strace s3  }
0x97: {  	_ =	strace $0x8FFFFFFF  }
0x98: {  	s19 =	sld [smem:$0x3FDB];
	_ =	sdelay $0x1  }
0x99: {  	s4 =	simm.s32 $_scs_section_size  }
0x9a: {  	s5 =	simm.s32 $_size__tile_overlayer_lowered;
	s6 =	simm.s32 $_tile_overlayer_lowered  }
0x9b: {  	s22 =	simm.s32 $0x1BFF;
	s21 =	sshll.u32 s6, $0x1;
	s3 =	sadd.s32 s4, s19  }
0x9c: {  	s7 =	simm.s32 $0x0;
	s20 =	sshll.u32 s5, $0x1;
	s5 =	sadd.s32 s21, s3  }
0x9d: {  	[timem:s7], [sflag:s22] =	dma.local [hbm:s5], s20  }
0x9e: {  	_ =	swait.ge [sflag:s22], s20  }
0x9f: {  	s4 =	ssub.s32 $0x0, s20;
	[sflag:s22] =	ssyncset.done $0x0  }
0xa0: {  	[sflag:s22] =	ssyncadd.s32 s4;
	_ =	sdelay $0x1  }
0xa1: {  	s23 =	simm.s32 $0x1B8B  }
0xa2: {  	_ =	swait.ge [sflag:s23], $0x1  }
0xa3: {  	[sflag:s23] =	ssyncset.done $0x0  }
0xa4: {  	s25 =	simm.s32 $0x1B8E;
	s24 =	sld [smem:$0x3FFE];
	[sflag:s23] =	ssyncadd.s32 $0xFFFFFFFF  }
0xa5: {  	s26 =	simm.s32 $execute0_lowered;
	[smem:$0x3FD2] =	sst s25  }
0xa6: {  	s5 =	sshll.u32 s26, $0x1;
	_ =	strace $0x80000046;
	[dreg:$0x1] =	wrdreg $0xFFFFFFFF  }
0xa7: {  	s28 =	simm.s32 $_size_execute0_lowered;
	s3 =	sadd.s32 s3, s5;
	[dreg:$0x0] =	wrdreg $0x0  }
0xa8: {  	s5 =	sshll.u32 s28, $0x1;
	[dreg:$0x2] =	wrdreg s3  }
0xa9: {  	[dreg:$0x3] =	wrdreg s5  }
0xaa: {  	[dreg:$0x4] =	wrdreg $0xC0  }
0xab: {  	_ =	task [dreg:s7], $0x5FFFF  }
0xac: {  	[dreg:$0x1] =	wrdreg $0xFFFFFFFF  }
0xad: {  	[dreg:$0x0] =	wrdreg $0x60  }
0xae: {  	[dreg:$0x2] =	wrdreg s24  }
0xaf: {  	[dreg:$0x3] =	wrdreg s2  }
0xb0: {  	[dreg:$0x4] =	wrdreg $0x2C000  }
0xb1: {  	[dreg:$0x5] =	wrdreg $0x9  }
0xb2: {  	_ =	task.clear_ibuf [dreg:s7], $0x6FFFF;
	_ =	strace $0x90000046  }
0xb3: {  	s29 =	simm.s32 $0x9;
	_ =	strace $0x80000048  }
0xb4: {  	_ =	swait.ge [sflag:s29], $0x1  }
0xb5: {  	[sflag:s29] =	ssyncadd.s32 $0xFFFFFFFF  }
0xb6: {  	_ =	strace $0x90000048  }
0xb7: {  	_ =	sfence  }
0xb8: {  	s30 =	sld [smem:$0x0];
	_ =	sdelay $0x2  }
0xb9: {  	s31 =	sshll.u32 s1, $0xD;
	s1 =	sshrl.u32 s1, $0x2  }
0xba: {  	s3 =	sand.u32 $0x4000, s31;
	s1 =	sadd.s32 s1, s30  }
0xbb: {  	s0 =	sor.u32 s3, s0;
	s1 =	sshll.u32 s1, $0x11  }
0xbc: {  	s0 =	sor.u32 s1, s0  }
0xbd: {  	s0 =	sadd.s32 $0x8F2B, s0  }
0xbe: {  	[sflag:s0] =	ssyncadd.remote.s32 $0x1  }
0xbf: {  	_ =	sfence.sel $0xFFFF  }
0xc0: {  	[dreg:$0x0] =	wrdreg $0xFFFFFFFF;
	(pc) =	sbr.abs _section_cstart, $3  }
0xc1: {  	[dreg:$0x1] =	wrdreg $0xFFFFFFFF  }
0xc2: {  	_ =	task.clear_ibuf [dreg:s7], $0x2FFFF;
	_ =	strace $0x9FFFFFFF  }
0xc3: {  	(tm) =	ssettm $0x7FFFFFFF  }
tec
execute0_lowered:
.L_overlay_start_1:
0x0: {  	(tag) =	ssettag $0x1  }
0x1: {  	s5 =	rddreg [dreg:$0x0]  }
0x2: {  	s8 =	rddreg [dreg:$0x1]  }
0x3: {  	s0 =	srdreg.scid;
	s2 =	rddreg [dreg:$0x2]  }
0x4: {  	s3 =	simm.s32 $0x0;
	s13 =	simm.s32 $0x80;
	s14 =	simm.s32 $0x0  }
0x5: {  	s4 =	sand.u32 $0x1, s0;
	s0 =	stileid.u32;
	[smem:$0x7FF] =	sst s3  }
0x6: {  	s1 =	sshll.u32 s4, $0x4;
	s7 =	smul.u32 $0x13C0, s0;
	s9 =	ssub.s32 $0x2, s4  }
0x7: {  	s10 =	smul.u32 $0x13C00, s4;
	s4 =	sadd.s32 $0x29C00, s5;
	s31 =	sshll.u32 s0, $0x6  }
0x8: {  	s6 =	sor.u32 s0, s1;
	s1 =	rddreg [dreg:$0x3];
	_ =	strace $0x80000047  }
0x9: {  	s28 =	sshrl.u32 s9, $0x1;
	s6 =	smul.u32 $0x500, s6;
	s29 =	sadd.s32 s7, s10  }
0xa: {  	s9 =	ssub.s32 s9, s28;
	s30 =	sadd.s32 s7, s2;
	s12 =	sshrl.u32 s29, $0x3  }
0xb: {  	s9 =	smax.u32 s9, $0x1;
	s10 =	sshrl.u32 s30, $0x3;
	s11 =	sadd.s32 s6, s5  }
0xc: {  	s5 =	sadd.s32 $0x1A00, s5;
	s6 =	sor.u32 $0x1C01, s31;
	s8 =	sadd.s32 s8, s12  }
0xd: {  	s12 =	simm.s32 $0x2800;
	s7 =	sadd.s32 $0x1FC00, s11;
	s11 =	simm.s32 $0x1  }
.LBB2_1:
0xe: {  	[spmem:s10], [sflag:s6] =	dma.local [hbm:s4], $0x278  }
0xf: {  	_ =	swait.ge [sflag:s11], $0x278  }
0x10: {  	[sflag:s11] =	ssyncset.done $0x0  }
0x11: {  	[sflag:s11] =	ssyncadd.s32 $0xFFFFFD88  }
0x12: {  	[tilespmem:s3], [sflag:$0x1] =	stream.linear.gather [hbm4b:s7+s3], $0x2800, $0x38;
	[tilespmem:$0x3FC0] =	vst v63  }
0x13: {  	_ =	swait.ge [sflag:s11], $0x2800  }
0x14: {  	[sflag:s11] =	ssyncset.done $0x0  }
0x15: {  	[sflag:s11] =	ssyncadd.s32 $0xFFFFD800  }
0x16: {  	[tilespmem:s12], [sflag:$0x1] =	stream.linear.gather [hbm4b:s5+s3], $0x400, $0x38;
	[tilespmem:$0x3FC0] =	vst v63  }
0x17: {  	_ =	swait.ge [sflag:s11], $0x400  }
0x18: {  	[sflag:s11] =	ssyncset.done $0x0  }
0x19: {  	[sflag:s11] =	ssyncadd.s32 $0xFFFFFC00  }
0x1a: {  	s15 =	simm.s32 $0x0;
	[bflag:$0x0] =	sbarrier.arrive $0xFFFF  }
0x1b: {  	[spmem:s2] =	stream.indirect.scatter.add.f32 [tilespmem:s12], [sflag:$0x1], $0x8, s15, s13, $0xb8;
	[tilespmem:$0x3FC0] =	vst v63  }
0x1c: {  	_ =	swait.ge [sflag:s11], $0x400  }
0x1d: {  	s15 =	simm.s32 $0x200;
	[sflag:s11] =	ssyncset.done $0x0  }
.LBB2_2:
0x1e: {  	s16 =	sshra.s32 s15, $0x2;
	[sflag:s11] =	ssyncadd.s32 $0xFFFFFC00;
	p0 =	sne.s32 s15, $0x9E00  }
0x1f: {  	[spmem:s2] =	stream.indirect.scatter.add.f32 [tilespmem:s12], [sflag:$0x1], $0x8, s16, s13, $0xb8;
	[tilespmem:$0x3FC0] =	vst v63  }
.Ltmp0:
0x20: {  	_ = 	snop;
	(pc) =	sbr.rel @p0 .LBB2_2-.Ltmp0, $4  }
0x21: {  	_ = 	snop  }
0x22: {  	s15 =	sadd.s32 $0x200, s15  }
0x23: {  	_ =	swait.ge [sflag:s11], $0x400  }
0x24: {  	[sflag:s11] =	ssyncset.done $0x0  }
0x25: {  	s14 =	sadd.s32 $0x1, s14  }
0x26: {  	[sflag:s11] =	ssyncadd.s32 $0xFFFFFC00;
	p0 =	sne.s32 s14, s9  }
.Ltmp1:
0x27: {  	[bflag:$0x0] =	sbarrier.arrive $0xFFFF;
	(pc) =	sbr.rel @p0 .LBB2_1-.Ltmp1, $4  }
0x28: {  	[hbm:s8], [sflag:s6] =	dma.local [spmem:s10], $0x278  }
0x29: {  	_ =	swait.ge [sflag:s11], $0x278  }
0x2a: {  	[sflag:s11] =	ssyncset.done $0x0  }
0x2b: {  	[sflag:s11] =	ssyncadd.s32 $0xFFFFFD88  }
0x2c: {  	_ =	sfence.sel $0x180000  }
0x2d: {  	[bflag:$0x0] =	sbarrier.arrive $0xFFFF  }
0x2e: {  	p0 =	sne.s32 s0, $0x0;
	_ =	strace $0x90000047  }
0x2f: {  	s0 =	sadd.s32 @!p0 $0x100000, s1;
	[bflag:$0x2] =	sbarrier.arrive $0xFFFF  }
0x30: {  	[sflag:s0] =	ssyncadd.tile.s32 @!p0 $0x1;
	_ =	shalt  }
.Lfunc_end2:
_tile_overlayer_lowered:
.L_overlay_start_2:
0x31: {  	(tag) =	ssettag $0x2  }
0x32: {  	s0 =	rddreg [dreg:$0x0];
	s2 =	stileid.u32  }
0x33: {  	s1 =	rddreg [dreg:$0x1];
	p0 =	sne.s32 s2, $0x0  }
0x34: {  	s3 =	rddreg [dreg:$0x2];
	[bflag:$0x3] =	sbarrier.arrive $0xFFFF;
	s2 =	simm.s32 @!p0 $0x1C01  }
0x35: {  	[timem:s3], [sflag:s2] =	dma.local @!p0 [hbm:s0], s1  }
0x36: {  	s0 =	simm.s32 @!p0 $0x1  }
0x37: {  	_ =	swait.ge @!p0 [sflag:s0], s1  }
0x38: {  	s1 =	ssub.s32 @!p0 $0x0, s1;
	[sflag:s0] =	ssyncset.done @!p0 $0x0  }
0x39: {  	[sflag:s0] =	ssyncadd.s32 @!p0 s1  }
0x3a: {  	[bflag:$0x3] =	sbarrier.arrive $0xFFFF  }
0x3b: {  	_ =	shalt  }

</sc_bundles>
